<compile_context>
chip_gen: v7x
topology: tpu7x:2x2x1
jax: 0.10.2.dev20260603
libtpu: 0.0.44.dev20260713+nightly
codegen_flags: <defaults>
</compile_context>

<pallas_src>
import functools

import jax
import jax.numpy as jnp
from jax import lax
from jax.experimental import pallas as pl
from jax.experimental.pallas import tpu as pltpu
from jax.experimental.pallas import tpu_sc as plsc

DIM = 64
DIMP = 128
ROWS_T = 1000000
ROWS = 4096
COLS = 26
B = ROWS * COLS
CHUNK = 128
NUM_CORES = 2
NUM_SUBCORES = 16
NW = NUM_CORES * NUM_SUBCORES
CH_PER_W = B // (CHUNK * NW)
NBUF = 4

_mesh = plsc.VectorSubcoreMesh(core_axis_name="c", subcore_axis_name="s")


@functools.partial(
    pl.kernel,
    mesh=_mesh,
    out_type=jax.ShapeDtypeStruct((B, DIMP), jnp.float32),
    compiler_params=pltpu.CompilerParams(use_tc_tiling_on_sc=True),
    scratch_types=[
        pltpu.VMEM((CH_PER_W * CHUNK,), jnp.int32),
        pltpu.VMEM((CHUNK, DIMP), jnp.float32),
        pltpu.VMEM((CHUNK, DIMP), jnp.float32),
        pltpu.VMEM((CHUNK, DIMP), jnp.float32),
        pltpu.VMEM((CHUNK, DIMP), jnp.float32),
        pltpu.SemaphoreType.DMA,
        pltpu.SemaphoreType.DMA,
        pltpu.SemaphoreType.DMA,
        pltpu.SemaphoreType.DMA,
    ],
)
def _sc_gather(table_hbm, idx_hbm, out_hbm,
               idx_v, buf0, buf1, buf2, buf3,
               sem0, sem1, sem2, sem3):
    bufs = (buf0, buf1, buf2, buf3)
    sems = (sem0, sem1, sem2, sem3)
    wid = lax.axis_index("s") * NUM_CORES + lax.axis_index("c")
    base = wid * CH_PER_W * CHUNK

    pltpu.sync_copy(idx_hbm.at[pl.ds(base, CH_PER_W * CHUNK)], idx_v)

    handles = [None] * CH_PER_W
    for j in range(NBUF):
        handles[j] = pltpu.async_copy(
            table_hbm.at[idx_v.at[pl.ds(j * CHUNK, CHUNK)]], bufs[j], sems[j])
    for j in range(CH_PER_W):
        b = j % NBUF
        handles[j].wait()
        pltpu.sync_copy(bufs[b], out_hbm.at[pl.ds(base + j * CHUNK, CHUNK)])
        jn = j + NBUF
        if jn < CH_PER_W:
            handles[jn] = pltpu.async_copy(
                table_hbm.at[idx_v.at[pl.ds(jn * CHUNK, CHUNK)]], bufs[b], sems[b])


def kernel(indices, cpu_weight, cache_data, mapping_table, access_tick, slot_to_id):
    idx = indices.reshape(B)
    table_p = jnp.pad(cpu_weight, ((0, 0), (0, DIMP - DIM)))
    out_p = _sc_gather(table_p, idx)
    return out_p[:, :DIM].reshape(indices.shape + (DIM,))

# --- scband reference (transcript-rebuilt; emitter-appended) ---
"""Pipeline reference for scband-vectorized-embedding-cache-24412594111159 (READ-ONLY COPY).

The authoritative reference and input builder live on the scoring server;
editing this copy changes nothing except your own understanding.
"""

import jax, jax.numpy as jnp
import numpy as np

NUM_EMB = 1000000
DIM = 64
MAX_ENTRIES = 262144

def setup_inputs(seed: int = 0) -> dict:
    key = jax.random.key(seed)
    k1, k2, k3 = jax.random.split(key, 3)
    indices = jax.random.randint(k1, (4096, 26), 0, NUM_EMB, dtype=jnp.int32)
    cpu_weight = jax.random.normal(k2, (NUM_EMB, DIM), dtype=jnp.float32)
    # module state at fresh init
    cache_data = jax.random.uniform(k3, (MAX_ENTRIES, DIM), minval=-0.01, maxval=0.01, dtype=jnp.float32)
    mapping_table = jnp.full((NUM_EMB,), -1, dtype=jnp.int32)
    access_tick = jnp.zeros((MAX_ENTRIES,), dtype=jnp.int32)
    slot_to_id = jnp.full((MAX_ENTRIES,), -1, dtype=jnp.int32)
    return {"indices": indices, "cpu_weight": cpu_weight, "cache_data": cache_data,
            "mapping_table": mapping_table, "access_tick": access_tick, "slot_to_id": slot_to_id}

def reference(indices, cpu_weight, cache_data, mapping_table, access_tick, slot_to_id):
    flat = indices.reshape(-1)
    global_tick = 1  # first call after init
    slots = mapping_table[flat]
    hit_mask = slots != -1
    miss_mask = ~hit_mask
    num_misses = miss_mask.sum()
    # fresh init: mapping_table is uniformly -1, so every lookup misses and the
    # miss path always runs with flat.size miss positions (num_misses == flat.size > 0).
    n_total = flat.shape[0]
    miss_indices = flat
    unique_miss, inverse = jnp.unique(miss_indices, return_inverse=True,
                                      size=n_total, fill_value=0)
    inverse = inverse.reshape(-1)
    # fresh cache: filled=0, free_capacity = MAX_ENTRIES >= n_total -> all slots come
    # from the free range, the topk-eviction branch is structurally unreachable here.
    slots_for_unique = jnp.arange(n_total, dtype=slots.dtype)
    fetched = cpu_weight[unique_miss]  # cpu_weight(idx_cpu) embedding lookup
    cache_data = cache_data.at[slots_for_unique].set(fetched)
    mapping_table = mapping_table.at[unique_miss].set(slots_for_unique)
    access_tick = access_tick.at[slots_for_unique].set(global_tick)
    slots = jnp.where(miss_mask, slots_for_unique[inverse], slots)
    slot_to_id = slot_to_id.at[slots_for_unique].set(unique_miss)
    access_tick = access_tick.at[slots].set(global_tick)
    output = cache_data[slots]
    return output.reshape(indices.shape + (cache_data.shape[1],))

if __name__ == "__main__":
    import jax
    _d = setup_inputs()
    print(jax.jit(kernel)(*tuple(_d.values())))

</pallas_src>

<mosaic_0001>
#map = affine_map<(d0, d1) -> (0, 0)>
#map1 = affine_map<(d0, d1) -> (0)>
module attributes {stable_mosaic.version = 14 : i64} {
  func.func @_sc_gather(%arg0: i32, %arg1: i32, %arg2: memref<1000000x128xf32, #tpu.memory_space<hbm>>, %arg3: memref<106496xi32, #tpu.memory_space<hbm>>, %arg4: memref<106496x128xf32, #tpu.memory_space<hbm>>, %arg5: memref<3328xi32, #tpu.memory_space<vmem>>, %arg6: memref<128x128xf32, #tpu.memory_space<vmem>>, %arg7: memref<128x128xf32, #tpu.memory_space<vmem>>, %arg8: memref<128x128xf32, #tpu.memory_space<vmem>>, %arg9: memref<128x128xf32, #tpu.memory_space<vmem>>, %arg10: memref<!tpu.dma_semaphore, #tpu.memory_space<semaphore_mem>>, %arg11: memref<!tpu.dma_semaphore, #tpu.memory_space<semaphore_mem>>, %arg12: memref<!tpu.dma_semaphore, #tpu.memory_space<semaphore_mem>>, %arg13: memref<!tpu.dma_semaphore, #tpu.memory_space<semaphore_mem>>) attributes {dimension_semantics = [#tpu.dimension_semantics<core_parallel>, #tpu.dimension_semantics<subcore_parallel>], iteration_bounds = array<i64: 2, 16>, scalar_prefetch = 0 : i64, scratch_operands = 9 : i64, tpu.core_type = #tpu.core_type<sc_vector_subcore>, window_params = [{transform_indices = #map}, {transform_indices = #map1}, {transform_indices = #map}]} {
    %mul3A = arith.constant 2 : i32
    %mul3A_0 = arith.muli %arg1, %mul3A : i32
    %add3A = arith.addi %mul3A_0, %arg0 : i32
    %mul3A_1 = arith.constant 26 : i32
    %mul3A_2 = arith.muli %add3A, %mul3A_1 : i32
    %mul3A_3 = arith.constant 128 : i32
    %mul3A_4 = arith.muli %mul3A_2, %mul3A_3 : i32
    "tpu.region"() ({
      %run_scoped3A = tpu.sem_alloc : memref<!tpu.dma_semaphore, #tpu.memory_space<semaphore_mem>>
      %dma_start3A_315 = tpu.memref_slice %arg3[%mul3A_4] : memref<106496xi32, #tpu.memory_space<hbm>> -> memref<3328xi32, #tpu.memory_space<hbm>>
      %dma_start3A_316 = tpu.memref_slice %arg3[%mul3A_4] : memref<106496xi32, #tpu.memory_space<hbm>> -> memref<3328xi32, #tpu.memory_space<hbm>>
      tpu.enqueue_dma source(%dma_start3A_316 : memref<3328xi32, #tpu.memory_space<hbm>>) target(%arg5 : memref<3328xi32, #tpu.memory_space<vmem>>) target_semaphore(%run_scoped3A : memref<!tpu.dma_semaphore, #tpu.memory_space<semaphore_mem>>)
      %dma_wait3A_317 = tpu.memref_slice %arg3[%mul3A_4] : memref<106496xi32, #tpu.memory_space<hbm>> -> memref<3328xi32, #tpu.memory_space<hbm>>
      %dma_wait3A_318 = tpu.memref_slice %arg3[%mul3A_4] : memref<106496xi32, #tpu.memory_space<hbm>> -> memref<3328xi32, #tpu.memory_space<hbm>>
      tpu.wait_dma2 semaphore(%run_scoped3A : memref<!tpu.dma_semaphore, #tpu.memory_space<semaphore_mem>>) src(%dma_wait3A_318 : memref<3328xi32, #tpu.memory_space<hbm>>) dst(%arg5 : memref<3328xi32, #tpu.memory_space<vmem>>)
      tpu.yield
    }) : () -> ()
    %dma_start3A = arith.constant 0 : i32
    %dma_start3A_5 = tpu.memref_slice %arg5[%dma_start3A] : memref<3328xi32, #tpu.memory_space<vmem>> -> memref<128xi32, #tpu.memory_space<vmem>>
    %dma_start3A_6 = arith.constant 0 : i32
    %dma_start3A_7 = arith.constant 0 : i32
    %dma_start3A_8 = tpu.memref_slice %arg2[%dma_start3A_6, %dma_start3A_7] : memref<1000000x128xf32, #tpu.memory_space<hbm>> -> memref<1000000x128xf32, #tpu.memory_space<hbm>>
    tpu.enqueue_indirect_dma source(%dma_start3A_8 : memref<1000000x128xf32, #tpu.memory_space<hbm>>) target(%arg6 : memref<128x128xf32, #tpu.memory_space<vmem>>) offsets(%dma_start3A_5 : memref<128xi32, #tpu.memory_space<vmem>>) semaphore(%arg10 : memref<!tpu.dma_semaphore, #tpu.memory_space<semaphore_mem>>)
    %dma_start3A_9 = arith.constant 128 : i32
    %dma_start3A_10 = tpu.memref_slice %arg5[%dma_start3A_9] : memref<3328xi32, #tpu.memory_space<vmem>> -> memref<128xi32, #tpu.memory_space<vmem>>
    %dma_start3A_11 = arith.constant 0 : i32
    %dma_start3A_12 = arith.constant 0 : i32
    %dma_start3A_13 = tpu.memref_slice %arg2[%dma_start3A_11, %dma_start3A_12] : memref<1000000x128xf32, #tpu.memory_space<hbm>> -> memref<1000000x128xf32, #tpu.memory_space<hbm>>
    tpu.enqueue_indirect_dma source(%dma_start3A_13 : memref<1000000x128xf32, #tpu.memory_space<hbm>>) target(%arg7 : memref<128x128xf32, #tpu.memory_space<vmem>>) offsets(%dma_start3A_10 : memref<128xi32, #tpu.memory_space<vmem>>) semaphore(%arg11 : memref<!tpu.dma_semaphore, #tpu.memory_space<semaphore_mem>>)
    %dma_start3A_14 = arith.constant 256 : i32
    %dma_start3A_15 = tpu.memref_slice %arg5[%dma_start3A_14] : memref<3328xi32, #tpu.memory_space<vmem>> -> memref<128xi32, #tpu.memory_space<vmem>>
    %dma_start3A_16 = arith.constant 0 : i32
    %dma_start3A_17 = arith.constant 0 : i32
    %dma_start3A_18 = tpu.memref_slice %arg2[%dma_start3A_16, %dma_start3A_17] : memref<1000000x128xf32, #tpu.memory_space<hbm>> -> memref<1000000x128xf32, #tpu.memory_space<hbm>>
    tpu.enqueue_indirect_dma source(%dma_start3A_18 : memref<1000000x128xf32, #tpu.memory_space<hbm>>) target(%arg8 : memref<128x128xf32, #tpu.memory_space<vmem>>) offsets(%dma_start3A_15 : memref<128xi32, #tpu.memory_space<vmem>>) semaphore(%arg12 : memref<!tpu.dma_semaphore, #tpu.memory_space<semaphore_mem>>)
    %dma_start3A_19 = arith.constant 384 : i32
    %dma_start3A_20 = tpu.memref_slice %arg5[%dma_start3A_19] : memref<3328xi32, #tpu.memory_space<vmem>> -> memref<128xi32, #tpu.memory_space<vmem>>
    %dma_start3A_21 = arith.constant 0 : i32
    %dma_start3A_22 = arith.constant 0 : i32
    %dma_start3A_23 = tpu.memref_slice %arg2[%dma_start3A_21, %dma_start3A_22] : memref<1000000x128xf32, #tpu.memory_space<hbm>> -> memref<1000000x128xf32, #tpu.memory_space<hbm>>
    tpu.enqueue_indirect_dma source(%dma_start3A_23 : memref<1000000x128xf32, #tpu.memory_space<hbm>>) target(%arg9 : memref<128x128xf32, #tpu.memory_space<vmem>>) offsets(%dma_start3A_20 : memref<128xi32, #tpu.memory_space<vmem>>) semaphore(%arg13 : memref<!tpu.dma_semaphore, #tpu.memory_space<semaphore_mem>>)
    %dma_wait3A = arith.constant 0 : i32
    %dma_wait3A_24 = tpu.memref_slice %arg5[%dma_wait3A] : memref<3328xi32, #tpu.memory_space<vmem>> -> memref<128xi32, #tpu.memory_space<vmem>>
    %dma_wait3A_25 = arith.constant 0 : i32
    %dma_wait3A_26 = arith.constant 0 : i32
    %dma_wait3A_27 = tpu.memref_slice %arg2[%dma_wait3A_25, %dma_wait3A_26] : memref<1000000x128xf32, #tpu.memory_space<hbm>> -> memref<1000000x128xf32, #tpu.memory_space<hbm>>
    tpu.wait_indirect_dma semaphore(%arg10 : memref<!tpu.dma_semaphore, #tpu.memory_space<semaphore_mem>>) src(%dma_wait3A_27 : memref<1000000x128xf32, #tpu.memory_space<hbm>>) dst(%arg6 : memref<128x128xf32, #tpu.memory_space<vmem>>)
    %add3A_28 = arith.constant 0 : i32
    %add3A_29 = arith.addi %mul3A_4, %add3A_28 : i32
    "tpu.region"() ({
      %run_scoped3A = tpu.sem_alloc : memref<!tpu.dma_semaphore, #tpu.memory_space<semaphore_mem>>
      %dma_start3A_315 = arith.constant 0 : i32
      %dma_start3A_316 = tpu.memref_slice %arg4[%add3A_29, %dma_start3A_315] : memref<106496x128xf32, #tpu.memory_space<hbm>> -> memref<128x128xf32, #tpu.memory_space<hbm>>
      %dma_start3A_317 = arith.constant 0 : i32
      %dma_start3A_318 = tpu.memref_slice %arg4[%add3A_29, %dma_start3A_317] : memref<106496x128xf32, #tpu.memory_space<hbm>> -> memref<128x128xf32, #tpu.memory_space<hbm>>
      tpu.enqueue_dma source(%arg6 : memref<128x128xf32, #tpu.memory_space<vmem>>) target(%dma_start3A_318 : memref<128x128xf32, #tpu.memory_space<hbm>>) target_semaphore(%run_scoped3A : memref<!tpu.dma_semaphore, #tpu.memory_space<semaphore_mem>>)
      %dma_wait3A_319 = arith.constant 0 : i32
      %dma_wait3A_320 = tpu.memref_slice %arg4[%add3A_29, %dma_wait3A_319] : memref<106496x128xf32, #tpu.memory_space<hbm>> -> memref<128x128xf32, #tpu.memory_space<hbm>>
      %dma_wait3A_321 = arith.constant 0 : i32
      %dma_wait3A_322 = tpu.memref_slice %arg4[%add3A_29, %dma_wait3A_321] : memref<106496x128xf32, #tpu.memory_space<hbm>> -> memref<128x128xf32, #tpu.memory_space<hbm>>
      tpu.wait_dma2 semaphore(%run_scoped3A : memref<!tpu.dma_semaphore, #tpu.memory_space<semaphore_mem>>) src(%arg6 : memref<128x128xf32, #tpu.memory_space<vmem>>) dst(%dma_wait3A_322 : memref<128x128xf32, #tpu.memory_space<hbm>>)
      tpu.yield
    }) : () -> ()
    %dma_start3A_30 = arith.constant 512 : i32
    %dma_start3A_31 = tpu.memref_slice %arg5[%dma_start3A_30] : memref<3328xi32, #tpu.memory_space<vmem>> -> memref<128xi32, #tpu.memory_space<vmem>>
    %dma_start3A_32 = arith.constant 0 : i32
    %dma_start3A_33 = arith.constant 0 : i32
    %dma_start3A_34 = tpu.memref_slice %arg2[%dma_start3A_32, %dma_start3A_33] : memref<1000000x128xf32, #tpu.memory_space<hbm>> -> memref<1000000x128xf32, #tpu.memory_space<hbm>>
    tpu.enqueue_indirect_dma source(%dma_start3A_34 : memref<1000000x128xf32, #tpu.memory_space<hbm>>) target(%arg6 : memref<128x128xf32, #tpu.memory_space<vmem>>) offsets(%dma_start3A_31 : memref<128xi32, #tpu.memory_space<vmem>>) semaphore(%arg10 : memref<!tpu.dma_semaphore, #tpu.memory_space<semaphore_mem>>)
    %dma_wait3A_35 = arith.constant 128 : i32
    %dma_wait3A_36 = tpu.memref_slice %arg5[%dma_wait3A_35] : memref<3328xi32, #tpu.memory_space<vmem>> -> memref<128xi32, #tpu.memory_space<vmem>>
    %dma_wait3A_37 = arith.constant 0 : i32
    %dma_wait3A_38 = arith.constant 0 : i32
    %dma_wait3A_39 = tpu.memref_slice %arg2[%dma_wait3A_37, %dma_wait3A_38] : memref<1000000x128xf32, #tpu.memory_space<hbm>> -> memref<1000000x128xf32, #tpu.memory_space<hbm>>
    tpu.wait_indirect_dma semaphore(%arg11 : memref<!tpu.dma_semaphore, #tpu.memory_space<semaphore_mem>>) src(%dma_wait3A_39 : memref<1000000x128xf32, #tpu.memory_space<hbm>>) dst(%arg7 : memref<128x128xf32, #tpu.memory_space<vmem>>)
    %add3A_40 = arith.constant 128 : i32
    %add3A_41 = arith.addi %mul3A_4, %add3A_40 : i32
    "tpu.region"() ({
      %run_scoped3A = tpu.sem_alloc : memref<!tpu.dma_semaphore, #tpu.memory_space<semaphore_mem>>
      %dma_start3A_315 = arith.constant 0 : i32
      %dma_start3A_316 = tpu.memref_slice %arg4[%add3A_41, %dma_start3A_315] : memref<106496x128xf32, #tpu.memory_space<hbm>> -> memref<128x128xf32, #tpu.memory_space<hbm>>
      %dma_start3A_317 = arith.constant 0 : i32
      %dma_start3A_318 = tpu.memref_slice %arg4[%add3A_41, %dma_start3A_317] : memref<106496x128xf32, #tpu.memory_space<hbm>> -> memref<128x128xf32, #tpu.memory_space<hbm>>
      tpu.enqueue_dma source(%arg7 : memref<128x128xf32, #tpu.memory_space<vmem>>) target(%dma_start3A_318 : memref<128x128xf32, #tpu.memory_space<hbm>>) target_semaphore(%run_scoped3A : memref<!tpu.dma_semaphore, #tpu.memory_space<semaphore_mem>>)
      %dma_wait3A_319 = arith.constant 0 : i32
      %dma_wait3A_320 = tpu.memref_slice %arg4[%add3A_41, %dma_wait3A_319] : memref<106496x128xf32, #tpu.memory_space<hbm>> -> memref<128x128xf32, #tpu.memory_space<hbm>>
      %dma_wait3A_321 = arith.constant 0 : i32
      %dma_wait3A_322 = tpu.memref_slice %arg4[%add3A_41, %dma_wait3A_321] : memref<106496x128xf32, #tpu.memory_space<hbm>> -> memref<128x128xf32, #tpu.memory_space<hbm>>
      tpu.wait_dma2 semaphore(%run_scoped3A : memref<!tpu.dma_semaphore, #tpu.memory_space<semaphore_mem>>) src(%arg7 : memref<128x128xf32, #tpu.memory_space<vmem>>) dst(%dma_wait3A_322 : memref<128x128xf32, #tpu.memory_space<hbm>>)
      tpu.yield
    }) : () -> ()
    %dma_start3A_42 = arith.constant 640 : i32
    %dma_start3A_43 = tpu.memref_slice %arg5[%dma_start3A_42] : memref<3328xi32, #tpu.memory_space<vmem>> -> memref<128xi32, #tpu.memory_space<vmem>>
    %dma_start3A_44 = arith.constant 0 : i32
    %dma_start3A_45 = arith.constant 0 : i32
    %dma_start3A_46 = tpu.memref_slice %arg2[%dma_start3A_44, %dma_start3A_45] : memref<1000000x128xf32, #tpu.memory_space<hbm>> -> memref<1000000x128xf32, #tpu.memory_space<hbm>>
    tpu.enqueue_indirect_dma source(%dma_start3A_46 : memref<1000000x128xf32, #tpu.memory_space<hbm>>) target(%arg7 : memref<128x128xf32, #tpu.memory_space<vmem>>) offsets(%dma_start3A_43 : memref<128xi32, #tpu.memory_space<vmem>>) semaphore(%arg11 : memref<!tpu.dma_semaphore, #tpu.memory_space<semaphore_mem>>)
    %dma_wait3A_47 = arith.constant 256 : i32
    %dma_wait3A_48 = tpu.memref_slice %arg5[%dma_wait3A_47] : memref<3328xi32, #tpu.memory_space<vmem>> -> memref<128xi32, #tpu.memory_space<vmem>>
    %dma_wait3A_49 = arith.constant 0 : i32
    %dma_wait3A_50 = arith.constant 0 : i32
    %dma_wait3A_51 = tpu.memref_slice %arg2[%dma_wait3A_49, %dma_wait3A_50] : memref<1000000x128xf32, #tpu.memory_space<hbm>> -> memref<1000000x128xf32, #tpu.memory_space<hbm>>
    tpu.wait_indirect_dma semaphore(%arg12 : memref<!tpu.dma_semaphore, #tpu.memory_space<semaphore_mem>>) src(%dma_wait3A_51 : memref<1000000x128xf32, #tpu.memory_space<hbm>>) dst(%arg8 : memref<128x128xf32, #tpu.memory_space<vmem>>)
    %add3A_52 = arith.constant 256 : i32
    %add3A_53 = arith.addi %mul3A_4, %add3A_52 : i32
    "tpu.region"() ({
      %run_scoped3A = tpu.sem_alloc : memref<!tpu.dma_semaphore, #tpu.memory_space<semaphore_mem>>
      %dma_start3A_315 = arith.constant 0 : i32
      %dma_start3A_316 = tpu.memref_slice %arg4[%add3A_53, %dma_start3A_315] : memref<106496x128xf32, #tpu.memory_space<hbm>> -> memref<128x128xf32, #tpu.memory_space<hbm>>
      %dma_start3A_317 = arith.constant 0 : i32
      %dma_start3A_318 = tpu.memref_slice %arg4[%add3A_53, %dma_start3A_317] : memref<106496x128xf32, #tpu.memory_space<hbm>> -> memref<128x128xf32, #tpu.memory_space<hbm>>
      tpu.enqueue_dma source(%arg8 : memref<128x128xf32, #tpu.memory_space<vmem>>) target(%dma_start3A_318 : memref<128x128xf32, #tpu.memory_space<hbm>>) target_semaphore(%run_scoped3A : memref<!tpu.dma_semaphore, #tpu.memory_space<semaphore_mem>>)
      %dma_wait3A_319 = arith.constant 0 : i32
      %dma_wait3A_320 = tpu.memref_slice %arg4[%add3A_53, %dma_wait3A_319] : memref<106496x128xf32, #tpu.memory_space<hbm>> -> memref<128x128xf32, #tpu.memory_space<hbm>>
      %dma_wait3A_321 = arith.constant 0 : i32
      %dma_wait3A_322 = tpu.memref_slice %arg4[%add3A_53, %dma_wait3A_321] : memref<106496x128xf32, #tpu.memory_space<hbm>> -> memref<128x128xf32, #tpu.memory_space<hbm>>
      tpu.wait_dma2 semaphore(%run_scoped3A : memref<!tpu.dma_semaphore, #tpu.memory_space<semaphore_mem>>) src(%arg8 : memref<128x128xf32, #tpu.memory_space<vmem>>) dst(%dma_wait3A_322 : memref<128x128xf32, #tpu.memory_space<hbm>>)
      tpu.yield
    }) : () -> ()
    %dma_start3A_54 = arith.constant 768 : i32
    %dma_start3A_55 = tpu.memref_slice %arg5[%dma_start3A_54] : memref<3328xi32, #tpu.memory_space<vmem>> -> memref<128xi32, #tpu.memory_space<vmem>>
    %dma_start3A_56 = arith.constant 0 : i32
    %dma_start3A_57 = arith.constant 0 : i32
    %dma_start3A_58 = tpu.memref_slice %arg2[%dma_start3A_56, %dma_start3A_57] : memref<1000000x128xf32, #tpu.memory_space<hbm>> -> memref<1000000x128xf32, #tpu.memory_space<hbm>>
    tpu.enqueue_indirect_dma source(%dma_start3A_58 : memref<1000000x128xf32, #tpu.memory_space<hbm>>) target(%arg8 : memref<128x128xf32, #tpu.memory_space<vmem>>) offsets(%dma_start3A_55 : memref<128xi32, #tpu.memory_space<vmem>>) semaphore(%arg12 : memref<!tpu.dma_semaphore, #tpu.memory_space<semaphore_mem>>)
    %dma_wait3A_59 = arith.constant 384 : i32
    %dma_wait3A_60 = tpu.memref_slice %arg5[%dma_wait3A_59] : memref<3328xi32, #tpu.memory_space<vmem>> -> memref<128xi32, #tpu.memory_space<vmem>>
    %dma_wait3A_61 = arith.constant 0 : i32
    %dma_wait3A_62 = arith.constant 0 : i32
    %dma_wait3A_63 = tpu.memref_slice %arg2[%dma_wait3A_61, %dma_wait3A_62] : memref<1000000x128xf32, #tpu.memory_space<hbm>> -> memref<1000000x128xf32, #tpu.memory_space<hbm>>
    tpu.wait_indirect_dma semaphore(%arg13 : memref<!tpu.dma_semaphore, #tpu.memory_space<semaphore_mem>>) src(%dma_wait3A_63 : memref<1000000x128xf32, #tpu.memory_space<hbm>>) dst(%arg9 : memref<128x128xf32, #tpu.memory_space<vmem>>)
    %add3A_64 = arith.constant 384 : i32
    %add3A_65 = arith.addi %mul3A_4, %add3A_64 : i32
    "tpu.region"() ({
      %run_scoped3A = tpu.sem_alloc : memref<!tpu.dma_semaphore, #tpu.memory_space<semaphore_mem>>
      %dma_start3A_315 = arith.constant 0 : i32
      %dma_start3A_316 = tpu.memref_slice %arg4[%add3A_65, %dma_start3A_315] : memref<106496x128xf32, #tpu.memory_space<hbm>> -> memref<128x128xf32, #tpu.memory_space<hbm>>
      %dma_start3A_317 = arith.constant 0 : i32
      %dma_start3A_318 = tpu.memref_slice %arg4[%add3A_65, %dma_start3A_317] : memref<106496x128xf32, #tpu.memory_space<hbm>> -> memref<128x128xf32, #tpu.memory_space<hbm>>
      tpu.enqueue_dma source(%arg9 : memref<128x128xf32, #tpu.memory_space<vmem>>) target(%dma_start3A_318 : memref<128x128xf32, #tpu.memory_space<hbm>>) target_semaphore(%run_scoped3A : memref<!tpu.dma_semaphore, #tpu.memory_space<semaphore_mem>>)
      %dma_wait3A_319 = arith.constant 0 : i32
      %dma_wait3A_320 = tpu.memref_slice %arg4[%add3A_65, %dma_wait3A_319] : memref<106496x128xf32, #tpu.memory_space<hbm>> -> memref<128x128xf32, #tpu.memory_space<hbm>>
      %dma_wait3A_321 = arith.constant 0 : i32
      %dma_wait3A_322 = tpu.memref_slice %arg4[%add3A_65, %dma_wait3A_321] : memref<106496x128xf32, #tpu.memory_space<hbm>> -> memref<128x128xf32, #tpu.memory_space<hbm>>
      tpu.wait_dma2 semaphore(%run_scoped3A : memref<!tpu.dma_semaphore, #tpu.memory_space<semaphore_mem>>) src(%arg9 : memref<128x128xf32, #tpu.memory_space<vmem>>) dst(%dma_wait3A_322 : memref<128x128xf32, #tpu.memory_space<hbm>>)
      tpu.yield
    }) : () -> ()
    %dma_start3A_66 = arith.constant 896 : i32
    %dma_start3A_67 = tpu.memref_slice %arg5[%dma_start3A_66] : memref<3328xi32, #tpu.memory_space<vmem>> -> memref<128xi32, #tpu.memory_space<vmem>>
    %dma_start3A_68 = arith.constant 0 : i32
    %dma_start3A_69 = arith.constant 0 : i32
    %dma_start3A_70 = tpu.memref_slice %arg2[%dma_start3A_68, %dma_start3A_69] : memref<1000000x128xf32, #tpu.memory_space<hbm>> -> memref<1000000x128xf32, #tpu.memory_space<hbm>>
    tpu.enqueue_indirect_dma source(%dma_start3A_70 : memref<1000000x128xf32, #tpu.memory_space<hbm>>) target(%arg9 : memref<128x128xf32, #tpu.memory_space<vmem>>) offsets(%dma_start3A_67 : memref<128xi32, #tpu.memory_space<vmem>>) semaphore(%arg13 : memref<!tpu.dma_semaphore, #tpu.memory_space<semaphore_mem>>)
    %dma_wait3A_71 = arith.constant 512 : i32
    %dma_wait3A_72 = tpu.memref_slice %arg5[%dma_wait3A_71] : memref<3328xi32, #tpu.memory_space<vmem>> -> memref<128xi32, #tpu.memory_space<vmem>>
    %dma_wait3A_73 = arith.constant 0 : i32
    %dma_wait3A_74 = arith.constant 0 : i32
    %dma_wait3A_75 = tpu.memref_slice %arg2[%dma_wait3A_73, %dma_wait3A_74] : memref<1000000x128xf32, #tpu.memory_space<hbm>> -> memref<1000000x128xf32, #tpu.memory_space<hbm>>
    tpu.wait_indirect_dma semaphore(%arg10 : memref<!tpu.dma_semaphore, #tpu.memory_space<semaphore_mem>>) src(%dma_wait3A_75 : memref<1000000x128xf32, #tpu.memory_space<hbm>>) dst(%arg6 : memref<128x128xf32, #tpu.memory_space<vmem>>)
    %add3A_76 = arith.constant 512 : i32
    %add3A_77 = arith.addi %mul3A_4, %add3A_76 : i32
    "tpu.region"() ({
      %run_scoped3A = tpu.sem_alloc : memref<!tpu.dma_semaphore, #tpu.memory_space<semaphore_mem>>
      %dma_start3A_315 = arith.constant 0 : i32
      %dma_start3A_316 = tpu.memref_slice %arg4[%add3A_77, %dma_start3A_315] : memref<106496x128xf32, #tpu.memory_space<hbm>> -> memref<128x128xf32, #tpu.memory_space<hbm>>
      %dma_start3A_317 = arith.constant 0 : i32
      %dma_start3A_318 = tpu.memref_slice %arg4[%add3A_77, %dma_start3A_317] : memref<106496x128xf32, #tpu.memory_space<hbm>> -> memref<128x128xf32, #tpu.memory_space<hbm>>
      tpu.enqueue_dma source(%arg6 : memref<128x128xf32, #tpu.memory_space<vmem>>) target(%dma_start3A_318 : memref<128x128xf32, #tpu.memory_space<hbm>>) target_semaphore(%run_scoped3A : memref<!tpu.dma_semaphore, #tpu.memory_space<semaphore_mem>>)
      %dma_wait3A_319 = arith.constant 0 : i32
      %dma_wait3A_320 = tpu.memref_slice %arg4[%add3A_77, %dma_wait3A_319] : memref<106496x128xf32, #tpu.memory_space<hbm>> -> memref<128x128xf32, #tpu.memory_space<hbm>>
      %dma_wait3A_321 = arith.constant 0 : i32
      %dma_wait3A_322 = tpu.memref_slice %arg4[%add3A_77, %dma_wait3A_321] : memref<106496x128xf32, #tpu.memory_space<hbm>> -> memref<128x128xf32, #tpu.memory_space<hbm>>
      tpu.wait_dma2 semaphore(%run_scoped3A : memref<!tpu.dma_semaphore, #tpu.memory_space<semaphore_mem>>) src(%arg6 : memref<128x128xf32, #tpu.memory_space<vmem>>) dst(%dma_wait3A_322 : memref<128x128xf32, #tpu.memory_space<hbm>>)
      tpu.yield
    }) : () -> ()
    %dma_start3A_78 = arith.constant 1024 : i32
    %dma_start3A_79 = tpu.memref_slice %arg5[%dma_start3A_78] : memref<3328xi32, #tpu.memory_space<vmem>> -> memref<128xi32, #tpu.memory_space<vmem>>
    %dma_start3A_80 = arith.constant 0 : i32
    %dma_start3A_81 = arith.constant 0 : i32
    %dma_start3A_82 = tpu.memref_slice %arg2[%dma_start3A_80, %dma_start3A_81] : memref<1000000x128xf32, #tpu.memory_space<hbm>> -> memref<1000000x128xf32, #tpu.memory_space<hbm>>
    tpu.enqueue_indirect_dma source(%dma_start3A_82 : memref<1000000x128xf32, #tpu.memory_space<hbm>>) target(%arg6 : memref<128x128xf32, #tpu.memory_space<vmem>>) offsets(%dma_start3A_79 : memref<128xi32, #tpu.memory_space<vmem>>) semaphore(%arg10 : memref<!tpu.dma_semaphore, #tpu.memory_space<semaphore_mem>>)
    %dma_wait3A_83 = arith.constant 640 : i32
    %dma_wait3A_84 = tpu.memref_slice %arg5[%dma_wait3A_83] : memref<3328xi32, #tpu.memory_space<vmem>> -> memref<128xi32, #tpu.memory_space<vmem>>
    %dma_wait3A_85 = arith.constant 0 : i32
    %dma_wait3A_86 = arith.constant 0 : i32
    %dma_wait3A_87 = tpu.memref_slice %arg2[%dma_wait3A_85, %dma_wait3A_86] : memref<1000000x128xf32, #tpu.memory_space<hbm>> -> memref<1000000x128xf32, #tpu.memory_space<hbm>>
    tpu.wait_indirect_dma semaphore(%arg11 : memref<!tpu.dma_semaphore, #tpu.memory_space<semaphore_mem>>) src(%dma_wait3A_87 : memref<1000000x128xf32, #tpu.memory_space<hbm>>) dst(%arg7 : memref<128x128xf32, #tpu.memory_space<vmem>>)
    %add3A_88 = arith.constant 640 : i32
    %add3A_89 = arith.addi %mul3A_4, %add3A_88 : i32
    "tpu.region"() ({
      %run_scoped3A = tpu.sem_alloc : memref<!tpu.dma_semaphore, #tpu.memory_space<semaphore_mem>>
      %dma_start3A_315 = arith.constant 0 : i32
      %dma_start3A_316 = tpu.memref_slice %arg4[%add3A_89, %dma_start3A_315] : memref<106496x128xf32, #tpu.memory_space<hbm>> -> memref<128x128xf32, #tpu.memory_space<hbm>>
      %dma_start3A_317 = arith.constant 0 : i32
      %dma_start3A_318 = tpu.memref_slice %arg4[%add3A_89, %dma_start3A_317] : memref<106496x128xf32, #tpu.memory_space<hbm>> -> memref<128x128xf32, #tpu.memory_space<hbm>>
      tpu.enqueue_dma source(%arg7 : memref<128x128xf32, #tpu.memory_space<vmem>>) target(%dma_start3A_318 : memref<128x128xf32, #tpu.memory_space<hbm>>) target_semaphore(%run_scoped3A : memref<!tpu.dma_semaphore, #tpu.memory_space<semaphore_mem>>)
      %dma_wait3A_319 = arith.constant 0 : i32
      %dma_wait3A_320 = tpu.memref_slice %arg4[%add3A_89, %dma_wait3A_319] : memref<106496x128xf32, #tpu.memory_space<hbm>> -> memref<128x128xf32, #tpu.memory_space<hbm>>
      %dma_wait3A_321 = arith.constant 0 : i32
      %dma_wait3A_322 = tpu.memref_slice %arg4[%add3A_89, %dma_wait3A_321] : memref<106496x128xf32, #tpu.memory_space<hbm>> -> memref<128x128xf32, #tpu.memory_space<hbm>>
      tpu.wait_dma2 semaphore(%run_scoped3A : memref<!tpu.dma_semaphore, #tpu.memory_space<semaphore_mem>>) src(%arg7 : memref<128x128xf32, #tpu.memory_space<vmem>>) dst(%dma_wait3A_322 : memref<128x128xf32, #tpu.memory_space<hbm>>)
      tpu.yield
    }) : () -> ()
    %dma_start3A_90 = arith.constant 1152 : i32
    %dma_start3A_91 = tpu.memref_slice %arg5[%dma_start3A_90] : memref<3328xi32, #tpu.memory_space<vmem>> -> memref<128xi32, #tpu.memory_space<vmem>>
    %dma_start3A_92 = arith.constant 0 : i32
    %dma_start3A_93 = arith.constant 0 : i32
    %dma_start3A_94 = tpu.memref_slice %arg2[%dma_start3A_92, %dma_start3A_93] : memref<1000000x128xf32, #tpu.memory_space<hbm>> -> memref<1000000x128xf32, #tpu.memory_space<hbm>>
    tpu.enqueue_indirect_dma source(%dma_start3A_94 : memref<1000000x128xf32, #tpu.memory_space<hbm>>) target(%arg7 : memref<128x128xf32, #tpu.memory_space<vmem>>) offsets(%dma_start3A_91 : memref<128xi32, #tpu.memory_space<vmem>>) semaphore(%arg11 : memref<!tpu.dma_semaphore, #tpu.memory_space<semaphore_mem>>)
    %dma_wait3A_95 = arith.constant 768 : i32
    %dma_wait3A_96 = tpu.memref_slice %arg5[%dma_wait3A_95] : memref<3328xi32, #tpu.memory_space<vmem>> -> memref<128xi32, #tpu.memory_space<vmem>>
    %dma_wait3A_97 = arith.constant 0 : i32
    %dma_wait3A_98 = arith.constant 0 : i32
    %dma_wait3A_99 = tpu.memref_slice %arg2[%dma_wait3A_97, %dma_wait3A_98] : memref<1000000x128xf32, #tpu.memory_space<hbm>> -> memref<1000000x128xf32, #tpu.memory_space<hbm>>
    tpu.wait_indirect_dma semaphore(%arg12 : memref<!tpu.dma_semaphore, #tpu.memory_space<semaphore_mem>>) src(%dma_wait3A_99 : memref<1000000x128xf32, #tpu.memory_space<hbm>>) dst(%arg8 : memref<128x128xf32, #tpu.memory_space<vmem>>)
    %add3A_100 = arith.constant 768 : i32
    %add3A_101 = arith.addi %mul3A_4, %add3A_100 : i32
    "tpu.region"() ({
      %run_scoped3A = tpu.sem_alloc : memref<!tpu.dma_semaphore, #tpu.memory_space<semaphore_mem>>
      %dma_start3A_315 = arith.constant 0 : i32
      %dma_start3A_316 = tpu.memref_slice %arg4[%add3A_101, %dma_start3A_315] : memref<106496x128xf32, #tpu.memory_space<hbm>> -> memref<128x128xf32, #tpu.memory_space<hbm>>
      %dma_start3A_317 = arith.constant 0 : i32
      %dma_start3A_318 = tpu.memref_slice %arg4[%add3A_101, %dma_start3A_317] : memref<106496x128xf32, #tpu.memory_space<hbm>> -> memref<128x128xf32, #tpu.memory_space<hbm>>
      tpu.enqueue_dma source(%arg8 : memref<128x128xf32, #tpu.memory_space<vmem>>) target(%dma_start3A_318 : memref<128x128xf32, #tpu.memory_space<hbm>>) target_semaphore(%run_scoped3A : memref<!tpu.dma_semaphore, #tpu.memory_space<semaphore_mem>>)
      %dma_wait3A_319 = arith.constant 0 : i32
      %dma_wait3A_320 = tpu.memref_slice %arg4[%add3A_101, %dma_wait3A_319] : memref<106496x128xf32, #tpu.memory_space<hbm>> -> memref<128x128xf32, #tpu.memory_space<hbm>>
      %dma_wait3A_321 = arith.constant 0 : i32
      %dma_wait3A_322 = tpu.memref_slice %arg4[%add3A_101, %dma_wait3A_321] : memref<106496x128xf32, #tpu.memory_space<hbm>> -> memref<128x128xf32, #tpu.memory_space<hbm>>
      tpu.wait_dma2 semaphore(%run_scoped3A : memref<!tpu.dma_semaphore, #tpu.memory_space<semaphore_mem>>) src(%arg8 : memref<128x128xf32, #tpu.memory_space<vmem>>) dst(%dma_wait3A_322 : memref<128x128xf32, #tpu.memory_space<hbm>>)
      tpu.yield
    }) : () -> ()
    %dma_start3A_102 = arith.constant 1280 : i32
    %dma_start3A_103 = tpu.memref_slice %arg5[%dma_start3A_102] : memref<3328xi32, #tpu.memory_space<vmem>> -> memref<128xi32, #tpu.memory_space<vmem>>
    %dma_start3A_104 = arith.constant 0 : i32
    %dma_start3A_105 = arith.constant 0 : i32
    %dma_start3A_106 = tpu.memref_slice %arg2[%dma_start3A_104, %dma_start3A_105] : memref<1000000x128xf32, #tpu.memory_space<hbm>> -> memref<1000000x128xf32, #tpu.memory_space<hbm>>
    tpu.enqueue_indirect_dma source(%dma_start3A_106 : memref<1000000x128xf32, #tpu.memory_space<hbm>>) target(%arg8 : memref<128x128xf32, #tpu.memory_space<vmem>>) offsets(%dma_start3A_103 : memref<128xi32, #tpu.memory_space<vmem>>) semaphore(%arg12 : memref<!tpu.dma_semaphore, #tpu.memory_space<semaphore_mem>>)
    %dma_wait3A_107 = arith.constant 896 : i32
    %dma_wait3A_108 = tpu.memref_slice %arg5[%dma_wait3A_107] : memref<3328xi32, #tpu.memory_space<vmem>> -> memref<128xi32, #tpu.memory_space<vmem>>
    %dma_wait3A_109 = arith.constant 0 : i32
    %dma_wait3A_110 = arith.constant 0 : i32
    %dma_wait3A_111 = tpu.memref_slice %arg2[%dma_wait3A_109, %dma_wait3A_110] : memref<1000000x128xf32, #tpu.memory_space<hbm>> -> memref<1000000x128xf32, #tpu.memory_space<hbm>>
    tpu.wait_indirect_dma semaphore(%arg13 : memref<!tpu.dma_semaphore, #tpu.memory_space<semaphore_mem>>) src(%dma_wait3A_111 : memref<1000000x128xf32, #tpu.memory_space<hbm>>) dst(%arg9 : memref<128x128xf32, #tpu.memory_space<vmem>>)
    %add3A_112 = arith.constant 896 : i32
    %add3A_113 = arith.addi %mul3A_4, %add3A_112 : i32
    "tpu.region"() ({
      %run_scoped3A = tpu.sem_alloc : memref<!tpu.dma_semaphore, #tpu.memory_space<semaphore_mem>>
      %dma_start3A_315 = arith.constant 0 : i32
      %dma_start3A_316 = tpu.memref_slice %arg4[%add3A_113, %dma_start3A_315] : memref<106496x128xf32, #tpu.memory_space<hbm>> -> memref<128x128xf32, #tpu.memory_space<hbm>>
      %dma_start3A_317 = arith.constant 0 : i32
      %dma_start3A_318 = tpu.memref_slice %arg4[%add3A_113, %dma_start3A_317] : memref<106496x128xf32, #tpu.memory_space<hbm>> -> memref<128x128xf32, #tpu.memory_space<hbm>>
      tpu.enqueue_dma source(%arg9 : memref<128x128xf32, #tpu.memory_space<vmem>>) target(%dma_start3A_318 : memref<128x128xf32, #tpu.memory_space<hbm>>) target_semaphore(%run_scoped3A : memref<!tpu.dma_semaphore, #tpu.memory_space<semaphore_mem>>)
      %dma_wait3A_319 = arith.constant 0 : i32
      %dma_wait3A_320 = tpu.memref_slice %arg4[%add3A_113, %dma_wait3A_319] : memref<106496x128xf32, #tpu.memory_space<hbm>> -> memref<128x128xf32, #tpu.memory_space<hbm>>
      %dma_wait3A_321 = arith.constant 0 : i32
      %dma_wait3A_322 = tpu.memref_slice %arg4[%add3A_113, %dma_wait3A_321] : memref<106496x128xf32, #tpu.memory_space<hbm>> -> memref<128x128xf32, #tpu.memory_space<hbm>>
      tpu.wait_dma2 semaphore(%run_scoped3A : memref<!tpu.dma_semaphore, #tpu.memory_space<semaphore_mem>>) src(%arg9 : memref<128x128xf32, #tpu.memory_space<vmem>>) dst(%dma_wait3A_322 : memref<128x128xf32, #tpu.memory_space<hbm>>)
      tpu.yield
    }) : () -> ()
    %dma_start3A_114 = arith.constant 1408 : i32
    %dma_start3A_115 = tpu.memref_slice %arg5[%dma_start3A_114] : memref<3328xi32, #tpu.memory_space<vmem>> -> memref<128xi32, #tpu.memory_space<vmem>>
    %dma_start3A_116 = arith.constant 0 : i32
    %dma_start3A_117 = arith.constant 0 : i32
    %dma_start3A_118 = tpu.memref_slice %arg2[%dma_start3A_116, %dma_start3A_117] : memref<1000000x128xf32, #tpu.memory_space<hbm>> -> memref<1000000x128xf32, #tpu.memory_space<hbm>>
    tpu.enqueue_indirect_dma source(%dma_start3A_118 : memref<1000000x128xf32, #tpu.memory_space<hbm>>) target(%arg9 : memref<128x128xf32, #tpu.memory_space<vmem>>) offsets(%dma_start3A_115 : memref<128xi32, #tpu.memory_space<vmem>>) semaphore(%arg13 : memref<!tpu.dma_semaphore, #tpu.memory_space<semaphore_mem>>)
    %dma_wait3A_119 = arith.constant 1024 : i32
    %dma_wait3A_120 = tpu.memref_slice %arg5[%dma_wait3A_119] : memref<3328xi32, #tpu.memory_space<vmem>> -> memref<128xi32, #tpu.memory_space<vmem>>
    %dma_wait3A_121 = arith.constant 0 : i32
    %dma_wait3A_122 = arith.constant 0 : i32
    %dma_wait3A_123 = tpu.memref_slice %arg2[%dma_wait3A_121, %dma_wait3A_122] : memref<1000000x128xf32, #tpu.memory_space<hbm>> -> memref<1000000x128xf32, #tpu.memory_space<hbm>>
    tpu.wait_indirect_dma semaphore(%arg10 : memref<!tpu.dma_semaphore, #tpu.memory_space<semaphore_mem>>) src(%dma_wait3A_123 : memref<1000000x128xf32, #tpu.memory_space<hbm>>) dst(%arg6 : memref<128x128xf32, #tpu.memory_space<vmem>>)
    %add3A_124 = arith.constant 1024 : i32
    %add3A_125 = arith.addi %mul3A_4, %add3A_124 : i32
    "tpu.region"() ({
      %run_scoped3A = tpu.sem_alloc : memref<!tpu.dma_semaphore, #tpu.memory_space<semaphore_mem>>
      %dma_start3A_315 = arith.constant 0 : i32
      %dma_start3A_316 = tpu.memref_slice %arg4[%add3A_125, %dma_start3A_315] : memref<106496x128xf32, #tpu.memory_space<hbm>> -> memref<128x128xf32, #tpu.memory_space<hbm>>
      %dma_start3A_317 = arith.constant 0 : i32
      %dma_start3A_318 = tpu.memref_slice %arg4[%add3A_125, %dma_start3A_317] : memref<106496x128xf32, #tpu.memory_space<hbm>> -> memref<128x128xf32, #tpu.memory_space<hbm>>
      tpu.enqueue_dma source(%arg6 : memref<128x128xf32, #tpu.memory_space<vmem>>) target(%dma_start3A_318 : memref<128x128xf32, #tpu.memory_space<hbm>>) target_semaphore(%run_scoped3A : memref<!tpu.dma_semaphore, #tpu.memory_space<semaphore_mem>>)
      %dma_wait3A_319 = arith.constant 0 : i32
      %dma_wait3A_320 = tpu.memref_slice %arg4[%add3A_125, %dma_wait3A_319] : memref<106496x128xf32, #tpu.memory_space<hbm>> -> memref<128x128xf32, #tpu.memory_space<hbm>>
      %dma_wait3A_321 = arith.constant 0 : i32
      %dma_wait3A_322 = tpu.memref_slice %arg4[%add3A_125, %dma_wait3A_321] : memref<106496x128xf32, #tpu.memory_space<hbm>> -> memref<128x128xf32, #tpu.memory_space<hbm>>
      tpu.wait_dma2 semaphore(%run_scoped3A : memref<!tpu.dma_semaphore, #tpu.memory_space<semaphore_mem>>) src(%arg6 : memref<128x128xf32, #tpu.memory_space<vmem>>) dst(%dma_wait3A_322 : memref<128x128xf32, #tpu.memory_space<hbm>>)
      tpu.yield
    }) : () -> ()
    %dma_start3A_126 = arith.constant 1536 : i32
    %dma_start3A_127 = tpu.memref_slice %arg5[%dma_start3A_126] : memref<3328xi32, #tpu.memory_space<vmem>> -> memref<128xi32, #tpu.memory_space<vmem>>
    %dma_start3A_128 = arith.constant 0 : i32
    %dma_start3A_129 = arith.constant 0 : i32
    %dma_start3A_130 = tpu.memref_slice %arg2[%dma_start3A_128, %dma_start3A_129] : memref<1000000x128xf32, #tpu.memory_space<hbm>> -> memref<1000000x128xf32, #tpu.memory_space<hbm>>
    tpu.enqueue_indirect_dma source(%dma_start3A_130 : memref<1000000x128xf32, #tpu.memory_space<hbm>>) target(%arg6 : memref<128x128xf32, #tpu.memory_space<vmem>>) offsets(%dma_start3A_127 : memref<128xi32, #tpu.memory_space<vmem>>) semaphore(%arg10 : memref<!tpu.dma_semaphore, #tpu.memory_space<semaphore_mem>>)
    %dma_wait3A_131 = arith.constant 1152 : i32
    %dma_wait3A_132 = tpu.memref_slice %arg5[%dma_wait3A_131] : memref<3328xi32, #tpu.memory_space<vmem>> -> memref<128xi32, #tpu.memory_space<vmem>>
    %dma_wait3A_133 = arith.constant 0 : i32
    %dma_wait3A_134 = arith.constant 0 : i32
    %dma_wait3A_135 = tpu.memref_slice %arg2[%dma_wait3A_133, %dma_wait3A_134] : memref<1000000x128xf32, #tpu.memory_space<hbm>> -> memref<1000000x128xf32, #tpu.memory_space<hbm>>
    tpu.wait_indirect_dma semaphore(%arg11 : memref<!tpu.dma_semaphore, #tpu.memory_space<semaphore_mem>>) src(%dma_wait3A_135 : memref<1000000x128xf32, #tpu.memory_space<hbm>>) dst(%arg7 : memref<128x128xf32, #tpu.memory_space<vmem>>)
    %add3A_136 = arith.constant 1152 : i32
    %add3A_137 = arith.addi %mul3A_4, %add3A_136 : i32
    "tpu.region"() ({
      %run_scoped3A = tpu.sem_alloc : memref<!tpu.dma_semaphore, #tpu.memory_space<semaphore_mem>>
      %dma_start3A_315 = arith.constant 0 : i32
      %dma_start3A_316 = tpu.memref_slice %arg4[%add3A_137, %dma_start3A_315] : memref<106496x128xf32, #tpu.memory_space<hbm>> -> memref<128x128xf32, #tpu.memory_space<hbm>>
      %dma_start3A_317 = arith.constant 0 : i32
      %dma_start3A_318 = tpu.memref_slice %arg4[%add3A_137, %dma_start3A_317] : memref<106496x128xf32, #tpu.memory_space<hbm>> -> memref<128x128xf32, #tpu.memory_space<hbm>>
      tpu.enqueue_dma source(%arg7 : memref<128x128xf32, #tpu.memory_space<vmem>>) target(%dma_start3A_318 : memref<128x128xf32, #tpu.memory_space<hbm>>) target_semaphore(%run_scoped3A : memref<!tpu.dma_semaphore, #tpu.memory_space<semaphore_mem>>)
      %dma_wait3A_319 = arith.constant 0 : i32
      %dma_wait3A_320 = tpu.memref_slice %arg4[%add3A_137, %dma_wait3A_319] : memref<106496x128xf32, #tpu.memory_space<hbm>> -> memref<128x128xf32, #tpu.memory_space<hbm>>
      %dma_wait3A_321 = arith.constant 0 : i32
      %dma_wait3A_322 = tpu.memref_slice %arg4[%add3A_137, %dma_wait3A_321] : memref<106496x128xf32, #tpu.memory_space<hbm>> -> memref<128x128xf32, #tpu.memory_space<hbm>>
      tpu.wait_dma2 semaphore(%run_scoped3A : memref<!tpu.dma_semaphore, #tpu.memory_space<semaphore_mem>>) src(%arg7 : memref<128x128xf32, #tpu.memory_space<vmem>>) dst(%dma_wait3A_322 : memref<128x128xf32, #tpu.memory_space<hbm>>)
      tpu.yield
    }) : () -> ()
    %dma_start3A_138 = arith.constant 1664 : i32
    %dma_start3A_139 = tpu.memref_slice %arg5[%dma_start3A_138] : memref<3328xi32, #tpu.memory_space<vmem>> -> memref<128xi32, #tpu.memory_space<vmem>>
    %dma_start3A_140 = arith.constant 0 : i32
    %dma_start3A_141 = arith.constant 0 : i32
    %dma_start3A_142 = tpu.memref_slice %arg2[%dma_start3A_140, %dma_start3A_141] : memref<1000000x128xf32, #tpu.memory_space<hbm>> -> memref<1000000x128xf32, #tpu.memory_space<hbm>>
    tpu.enqueue_indirect_dma source(%dma_start3A_142 : memref<1000000x128xf32, #tpu.memory_space<hbm>>) target(%arg7 : memref<128x128xf32, #tpu.memory_space<vmem>>) offsets(%dma_start3A_139 : memref<128xi32, #tpu.memory_space<vmem>>) semaphore(%arg11 : memref<!tpu.dma_semaphore, #tpu.memory_space<semaphore_mem>>)
    %dma_wait3A_143 = arith.constant 1280 : i32
    %dma_wait3A_144 = tpu.memref_slice %arg5[%dma_wait3A_143] : memref<3328xi32, #tpu.memory_space<vmem>> -> memref<128xi32, #tpu.memory_space<vmem>>
    %dma_wait3A_145 = arith.constant 0 : i32
    %dma_wait3A_146 = arith.constant 0 : i32
    %dma_wait3A_147 = tpu.memref_slice %arg2[%dma_wait3A_145, %dma_wait3A_146] : memref<1000000x128xf32, #tpu.memory_space<hbm>> -> memref<1000000x128xf32, #tpu.memory_space<hbm>>
    tpu.wait_indirect_dma semaphore(%arg12 : memref<!tpu.dma_semaphore, #tpu.memory_space<semaphore_mem>>) src(%dma_wait3A_147 : memref<1000000x128xf32, #tpu.memory_space<hbm>>) dst(%arg8 : memref<128x128xf32, #tpu.memory_space<vmem>>)
    %add3A_148 = arith.constant 1280 : i32
    %add3A_149 = arith.addi %mul3A_4, %add3A_148 : i32
    "tpu.region"() ({
      %run_scoped3A = tpu.sem_alloc : memref<!tpu.dma_semaphore, #tpu.memory_space<semaphore_mem>>
      %dma_start3A_315 = arith.constant 0 : i32
      %dma_start3A_316 = tpu.memref_slice %arg4[%add3A_149, %dma_start3A_315] : memref<106496x128xf32, #tpu.memory_space<hbm>> -> memref<128x128xf32, #tpu.memory_space<hbm>>
      %dma_start3A_317 = arith.constant 0 : i32
      %dma_start3A_318 = tpu.memref_slice %arg4[%add3A_149, %dma_start3A_317] : memref<106496x128xf32, #tpu.memory_space<hbm>> -> memref<128x128xf32, #tpu.memory_space<hbm>>
      tpu.enqueue_dma source(%arg8 : memref<128x128xf32, #tpu.memory_space<vmem>>) target(%dma_start3A_318 : memref<128x128xf32, #tpu.memory_space<hbm>>) target_semaphore(%run_scoped3A : memref<!tpu.dma_semaphore, #tpu.memory_space<semaphore_mem>>)
      %dma_wait3A_319 = arith.constant 0 : i32
      %dma_wait3A_320 = tpu.memref_slice %arg4[%add3A_149, %dma_wait3A_319] : memref<106496x128xf32, #tpu.memory_space<hbm>> -> memref<128x128xf32, #tpu.memory_space<hbm>>
      %dma_wait3A_321 = arith.constant 0 : i32
      %dma_wait3A_322 = tpu.memref_slice %arg4[%add3A_149, %dma_wait3A_321] : memref<106496x128xf32, #tpu.memory_space<hbm>> -> memref<128x128xf32, #tpu.memory_space<hbm>>
      tpu.wait_dma2 semaphore(%run_scoped3A : memref<!tpu.dma_semaphore, #tpu.memory_space<semaphore_mem>>) src(%arg8 : memref<128x128xf32, #tpu.memory_space<vmem>>) dst(%dma_wait3A_322 : memref<128x128xf32, #tpu.memory_space<hbm>>)
      tpu.yield
    }) : () -> ()
    %dma_start3A_150 = arith.constant 1792 : i32
    %dma_start3A_151 = tpu.memref_slice %arg5[%dma_start3A_150] : memref<3328xi32, #tpu.memory_space<vmem>> -> memref<128xi32, #tpu.memory_space<vmem>>
    %dma_start3A_152 = arith.constant 0 : i32
    %dma_start3A_153 = arith.constant 0 : i32
    %dma_start3A_154 = tpu.memref_slice %arg2[%dma_start3A_152, %dma_start3A_153] : memref<1000000x128xf32, #tpu.memory_space<hbm>> -> memref<1000000x128xf32, #tpu.memory_space<hbm>>
    tpu.enqueue_indirect_dma source(%dma_start3A_154 : memref<1000000x128xf32, #tpu.memory_space<hbm>>) target(%arg8 : memref<128x128xf32, #tpu.memory_space<vmem>>) offsets(%dma_start3A_151 : memref<128xi32, #tpu.memory_space<vmem>>) semaphore(%arg12 : memref<!tpu.dma_semaphore, #tpu.memory_space<semaphore_mem>>)
    %dma_wait3A_155 = arith.constant 1408 : i32
    %dma_wait3A_156 = tpu.memref_slice %arg5[%dma_wait3A_155] : memref<3328xi32, #tpu.memory_space<vmem>> -> memref<128xi32, #tpu.memory_space<vmem>>
    %dma_wait3A_157 = arith.constant 0 : i32
    %dma_wait3A_158 = arith.constant 0 : i32
    %dma_wait3A_159 = tpu.memref_slice %arg2[%dma_wait3A_157, %dma_wait3A_158] : memref<1000000x128xf32, #tpu.memory_space<hbm>> -> memref<1000000x128xf32, #tpu.memory_space<hbm>>
    tpu.wait_indirect_dma semaphore(%arg13 : memref<!tpu.dma_semaphore, #tpu.memory_space<semaphore_mem>>) src(%dma_wait3A_159 : memref<1000000x128xf32, #tpu.memory_space<hbm>>) dst(%arg9 : memref<128x128xf32, #tpu.memory_space<vmem>>)
    %add3A_160 = arith.constant 1408 : i32
    %add3A_161 = arith.addi %mul3A_4, %add3A_160 : i32
    "tpu.region"() ({
      %run_scoped3A = tpu.sem_alloc : memref<!tpu.dma_semaphore, #tpu.memory_space<semaphore_mem>>
      %dma_start3A_315 = arith.constant 0 : i32
      %dma_start3A_316 = tpu.memref_slice %arg4[%add3A_161, %dma_start3A_315] : memref<106496x128xf32, #tpu.memory_space<hbm>> -> memref<128x128xf32, #tpu.memory_space<hbm>>
      %dma_start3A_317 = arith.constant 0 : i32
      %dma_start3A_318 = tpu.memref_slice %arg4[%add3A_161, %dma_start3A_317] : memref<106496x128xf32, #tpu.memory_space<hbm>> -> memref<128x128xf32, #tpu.memory_space<hbm>>
      tpu.enqueue_dma source(%arg9 : memref<128x128xf32, #tpu.memory_space<vmem>>) target(%dma_start3A_318 : memref<128x128xf32, #tpu.memory_space<hbm>>) target_semaphore(%run_scoped3A : memref<!tpu.dma_semaphore, #tpu.memory_space<semaphore_mem>>)
      %dma_wait3A_319 = arith.constant 0 : i32
      %dma_wait3A_320 = tpu.memref_slice %arg4[%add3A_161, %dma_wait3A_319] : memref<106496x128xf32, #tpu.memory_space<hbm>> -> memref<128x128xf32, #tpu.memory_space<hbm>>
      %dma_wait3A_321 = arith.constant 0 : i32
      %dma_wait3A_322 = tpu.memref_slice %arg4[%add3A_161, %dma_wait3A_321] : memref<106496x128xf32, #tpu.memory_space<hbm>> -> memref<128x128xf32, #tpu.memory_space<hbm>>
      tpu.wait_dma2 semaphore(%run_scoped3A : memref<!tpu.dma_semaphore, #tpu.memory_space<semaphore_mem>>) src(%arg9 : memref<128x128xf32, #tpu.memory_space<vmem>>) dst(%dma_wait3A_322 : memref<128x128xf32, #tpu.memory_space<hbm>>)
      tpu.yield
    }) : () -> ()
    %dma_start3A_162 = arith.constant 1920 : i32
    %dma_start3A_163 = tpu.memref_slice %arg5[%dma_start3A_162] : memref<3328xi32, #tpu.memory_space<vmem>> -> memref<128xi32, #tpu.memory_space<vmem>>
    %dma_start3A_164 = arith.constant 0 : i32
    %dma_start3A_165 = arith.constant 0 : i32
    %dma_start3A_166 = tpu.memref_slice %arg2[%dma_start3A_164, %dma_start3A_165] : memref<1000000x128xf32, #tpu.memory_space<hbm>> -> memref<1000000x128xf32, #tpu.memory_space<hbm>>
    tpu.enqueue_indirect_dma source(%dma_start3A_166 : memref<1000000x128xf32, #tpu.memory_space<hbm>>) target(%arg9 : memref<128x128xf32, #tpu.memory_space<vmem>>) offsets(%dma_start3A_163 : memref<128xi32, #tpu.memory_space<vmem>>) semaphore(%arg13 : memref<!tpu.dma_semaphore, #tpu.memory_space<semaphore_mem>>)
    %dma_wait3A_167 = arith.constant 1536 : i32
    %dma_wait3A_168 = tpu.memref_slice %arg5[%dma_wait3A_167] : memref<3328xi32, #tpu.memory_space<vmem>> -> memref<128xi32, #tpu.memory_space<vmem>>
    %dma_wait3A_169 = arith.constant 0 : i32
    %dma_wait3A_170 = arith.constant 0 : i32
    %dma_wait3A_171 = tpu.memref_slice %arg2[%dma_wait3A_169, %dma_wait3A_170] : memref<1000000x128xf32, #tpu.memory_space<hbm>> -> memref<1000000x128xf32, #tpu.memory_space<hbm>>
    tpu.wait_indirect_dma semaphore(%arg10 : memref<!tpu.dma_semaphore, #tpu.memory_space<semaphore_mem>>) src(%dma_wait3A_171 : memref<1000000x128xf32, #tpu.memory_space<hbm>>) dst(%arg6 : memref<128x128xf32, #tpu.memory_space<vmem>>)
    %add3A_172 = arith.constant 1536 : i32
    %add3A_173 = arith.addi %mul3A_4, %add3A_172 : i32
    "tpu.region"() ({
      %run_scoped3A = tpu.sem_alloc : memref<!tpu.dma_semaphore, #tpu.memory_space<semaphore_mem>>
      %dma_start3A_315 = arith.constant 0 : i32
      %dma_start3A_316 = tpu.memref_slice %arg4[%add3A_173, %dma_start3A_315] : memref<106496x128xf32, #tpu.memory_space<hbm>> -> memref<128x128xf32, #tpu.memory_space<hbm>>
      %dma_start3A_317 = arith.constant 0 : i32
      %dma_start3A_318 = tpu.memref_slice %arg4[%add3A_173, %dma_start3A_317] : memref<106496x128xf32, #tpu.memory_space<hbm>> -> memref<128x128xf32, #tpu.memory_space<hbm>>
      tpu.enqueue_dma source(%arg6 : memref<128x128xf32, #tpu.memory_space<vmem>>) target(%dma_start3A_318 : memref<128x128xf32, #tpu.memory_space<hbm>>) target_semaphore(%run_scoped3A : memref<!tpu.dma_semaphore, #tpu.memory_space<semaphore_mem>>)
      %dma_wait3A_319 = arith.constant 0 : i32
      %dma_wait3A_320 = tpu.memref_slice %arg4[%add3A_173, %dma_wait3A_319] : memref<106496x128xf32, #tpu.memory_space<hbm>> -> memref<128x128xf32, #tpu.memory_space<hbm>>
      %dma_wait3A_321 = arith.constant 0 : i32
      %dma_wait3A_322 = tpu.memref_slice %arg4[%add3A_173, %dma_wait3A_321] : memref<106496x128xf32, #tpu.memory_space<hbm>> -> memref<128x128xf32, #tpu.memory_space<hbm>>
      tpu.wait_dma2 semaphore(%run_scoped3A : memref<!tpu.dma_semaphore, #tpu.memory_space<semaphore_mem>>) src(%arg6 : memref<128x128xf32, #tpu.memory_space<vmem>>) dst(%dma_wait3A_322 : memref<128x128xf32, #tpu.memory_space<hbm>>)
      tpu.yield
    }) : () -> ()
    %dma_start3A_174 = arith.constant 2048 : i32
    %dma_start3A_175 = tpu.memref_slice %arg5[%dma_start3A_174] : memref<3328xi32, #tpu.memory_space<vmem>> -> memref<128xi32, #tpu.memory_space<vmem>>
    %dma_start3A_176 = arith.constant 0 : i32
    %dma_start3A_177 = arith.constant 0 : i32
    %dma_start3A_178 = tpu.memref_slice %arg2[%dma_start3A_176, %dma_start3A_177] : memref<1000000x128xf32, #tpu.memory_space<hbm>> -> memref<1000000x128xf32, #tpu.memory_space<hbm>>
    tpu.enqueue_indirect_dma source(%dma_start3A_178 : memref<1000000x128xf32, #tpu.memory_space<hbm>>) target(%arg6 : memref<128x128xf32, #tpu.memory_space<vmem>>) offsets(%dma_start3A_175 : memref<128xi32, #tpu.memory_space<vmem>>) semaphore(%arg10 : memref<!tpu.dma_semaphore, #tpu.memory_space<semaphore_mem>>)
    %dma_wait3A_179 = arith.constant 1664 : i32
    %dma_wait3A_180 = tpu.memref_slice %arg5[%dma_wait3A_179] : memref<3328xi32, #tpu.memory_space<vmem>> -> memref<128xi32, #tpu.memory_space<vmem>>
    %dma_wait3A_181 = arith.constant 0 : i32
    %dma_wait3A_182 = arith.constant 0 : i32
    %dma_wait3A_183 = tpu.memref_slice %arg2[%dma_wait3A_181, %dma_wait3A_182] : memref<1000000x128xf32, #tpu.memory_space<hbm>> -> memref<1000000x128xf32, #tpu.memory_space<hbm>>
    tpu.wait_indirect_dma semaphore(%arg11 : memref<!tpu.dma_semaphore, #tpu.memory_space<semaphore_mem>>) src(%dma_wait3A_183 : memref<1000000x128xf32, #tpu.memory_space<hbm>>) dst(%arg7 : memref<128x128xf32, #tpu.memory_space<vmem>>)
    %add3A_184 = arith.constant 1664 : i32
    %add3A_185 = arith.addi %mul3A_4, %add3A_184 : i32
    "tpu.region"() ({
      %run_scoped3A = tpu.sem_alloc : memref<!tpu.dma_semaphore, #tpu.memory_space<semaphore_mem>>
      %dma_start3A_315 = arith.constant 0 : i32
      %dma_start3A_316 = tpu.memref_slice %arg4[%add3A_185, %dma_start3A_315] : memref<106496x128xf32, #tpu.memory_space<hbm>> -> memref<128x128xf32, #tpu.memory_space<hbm>>
      %dma_start3A_317 = arith.constant 0 : i32
      %dma_start3A_318 = tpu.memref_slice %arg4[%add3A_185, %dma_start3A_317] : memref<106496x128xf32, #tpu.memory_space<hbm>> -> memref<128x128xf32, #tpu.memory_space<hbm>>
      tpu.enqueue_dma source(%arg7 : memref<128x128xf32, #tpu.memory_space<vmem>>) target(%dma_start3A_318 : memref<128x128xf32, #tpu.memory_space<hbm>>) target_semaphore(%run_scoped3A : memref<!tpu.dma_semaphore, #tpu.memory_space<semaphore_mem>>)
      %dma_wait3A_319 = arith.constant 0 : i32
      %dma_wait3A_320 = tpu.memref_slice %arg4[%add3A_185, %dma_wait3A_319] : memref<106496x128xf32, #tpu.memory_space<hbm>> -> memref<128x128xf32, #tpu.memory_space<hbm>>
      %dma_wait3A_321 = arith.constant 0 : i32
      %dma_wait3A_322 = tpu.memref_slice %arg4[%add3A_185, %dma_wait3A_321] : memref<106496x128xf32, #tpu.memory_space<hbm>> -> memref<128x128xf32, #tpu.memory_space<hbm>>
      tpu.wait_dma2 semaphore(%run_scoped3A : memref<!tpu.dma_semaphore, #tpu.memory_space<semaphore_mem>>) src(%arg7 : memref<128x128xf32, #tpu.memory_space<vmem>>) dst(%dma_wait3A_322 : memref<128x128xf32, #tpu.memory_space<hbm>>)
      tpu.yield
    }) : () -> ()
    %dma_start3A_186 = arith.constant 2176 : i32
    %dma_start3A_187 = tpu.memref_slice %arg5[%dma_start3A_186] : memref<3328xi32, #tpu.memory_space<vmem>> -> memref<128xi32, #tpu.memory_space<vmem>>
    %dma_start3A_188 = arith.constant 0 : i32
    %dma_start3A_189 = arith.constant 0 : i32
    %dma_start3A_190 = tpu.memref_slice %arg2[%dma_start3A_188, %dma_start3A_189] : memref<1000000x128xf32, #tpu.memory_space<hbm>> -> memref<1000000x128xf32, #tpu.memory_space<hbm>>
    tpu.enqueue_indirect_dma source(%dma_start3A_190 : memref<1000000x128xf32, #tpu.memory_space<hbm>>) target(%arg7 : memref<128x128xf32, #tpu.memory_space<vmem>>) offsets(%dma_start3A_187 : memref<128xi32, #tpu.memory_space<vmem>>) semaphore(%arg11 : memref<!tpu.dma_semaphore, #tpu.memory_space<semaphore_mem>>)
    %dma_wait3A_191 = arith.constant 1792 : i32
    %dma_wait3A_192 = tpu.memref_slice %arg5[%dma_wait3A_191] : memref<3328xi32, #tpu.memory_space<vmem>> -> memref<128xi32, #tpu.memory_space<vmem>>
    %dma_wait3A_193 = arith.constant 0 : i32
    %dma_wait3A_194 = arith.constant 0 : i32
    %dma_wait3A_195 = tpu.memref_slice %arg2[%dma_wait3A_193, %dma_wait3A_194] : memref<1000000x128xf32, #tpu.memory_space<hbm>> -> memref<1000000x128xf32, #tpu.memory_space<hbm>>
    tpu.wait_indirect_dma semaphore(%arg12 : memref<!tpu.dma_semaphore, #tpu.memory_space<semaphore_mem>>) src(%dma_wait3A_195 : memref<1000000x128xf32, #tpu.memory_space<hbm>>) dst(%arg8 : memref<128x128xf32, #tpu.memory_space<vmem>>)
    %add3A_196 = arith.constant 1792 : i32
    %add3A_197 = arith.addi %mul3A_4, %add3A_196 : i32
    "tpu.region"() ({
      %run_scoped3A = tpu.sem_alloc : memref<!tpu.dma_semaphore, #tpu.memory_space<semaphore_mem>>
      %dma_start3A_315 = arith.constant 0 : i32
      %dma_start3A_316 = tpu.memref_slice %arg4[%add3A_197, %dma_start3A_315] : memref<106496x128xf32, #tpu.memory_space<hbm>> -> memref<128x128xf32, #tpu.memory_space<hbm>>
      %dma_start3A_317 = arith.constant 0 : i32
      %dma_start3A_318 = tpu.memref_slice %arg4[%add3A_197, %dma_start3A_317] : memref<106496x128xf32, #tpu.memory_space<hbm>> -> memref<128x128xf32, #tpu.memory_space<hbm>>
      tpu.enqueue_dma source(%arg8 : memref<128x128xf32, #tpu.memory_space<vmem>>) target(%dma_start3A_318 : memref<128x128xf32, #tpu.memory_space<hbm>>) target_semaphore(%run_scoped3A : memref<!tpu.dma_semaphore, #tpu.memory_space<semaphore_mem>>)
      %dma_wait3A_319 = arith.constant 0 : i32
      %dma_wait3A_320 = tpu.memref_slice %arg4[%add3A_197, %dma_wait3A_319] : memref<106496x128xf32, #tpu.memory_space<hbm>> -> memref<128x128xf32, #tpu.memory_space<hbm>>
      %dma_wait3A_321 = arith.constant 0 : i32
      %dma_wait3A_322 = tpu.memref_slice %arg4[%add3A_197, %dma_wait3A_321] : memref<106496x128xf32, #tpu.memory_space<hbm>> -> memref<128x128xf32, #tpu.memory_space<hbm>>
      tpu.wait_dma2 semaphore(%run_scoped3A : memref<!tpu.dma_semaphore, #tpu.memory_space<semaphore_mem>>) src(%arg8 : memref<128x128xf32, #tpu.memory_space<vmem>>) dst(%dma_wait3A_322 : memref<128x128xf32, #tpu.memory_space<hbm>>)
      tpu.yield
    }) : () -> ()
    %dma_start3A_198 = arith.constant 2304 : i32
    %dma_start3A_199 = tpu.memref_slice %arg5[%dma_start3A_198] : memref<3328xi32, #tpu.memory_space<vmem>> -> memref<128xi32, #tpu.memory_space<vmem>>
    %dma_start3A_200 = arith.constant 0 : i32
    %dma_start3A_201 = arith.constant 0 : i32
    %dma_start3A_202 = tpu.memref_slice %arg2[%dma_start3A_200, %dma_start3A_201] : memref<1000000x128xf32, #tpu.memory_space<hbm>> -> memref<1000000x128xf32, #tpu.memory_space<hbm>>
    tpu.enqueue_indirect_dma source(%dma_start3A_202 : memref<1000000x128xf32, #tpu.memory_space<hbm>>) target(%arg8 : memref<128x128xf32, #tpu.memory_space<vmem>>) offsets(%dma_start3A_199 : memref<128xi32, #tpu.memory_space<vmem>>) semaphore(%arg12 : memref<!tpu.dma_semaphore, #tpu.memory_space<semaphore_mem>>)
    %dma_wait3A_203 = arith.constant 1920 : i32
    %dma_wait3A_204 = tpu.memref_slice %arg5[%dma_wait3A_203] : memref<3328xi32, #tpu.memory_space<vmem>> -> memref<128xi32, #tpu.memory_space<vmem>>
    %dma_wait3A_205 = arith.constant 0 : i32
    %dma_wait3A_206 = arith.constant 0 : i32
    %dma_wait3A_207 = tpu.memref_slice %arg2[%dma_wait3A_205, %dma_wait3A_206] : memref<1000000x128xf32, #tpu.memory_space<hbm>> -> memref<1000000x128xf32, #tpu.memory_space<hbm>>
    tpu.wait_indirect_dma semaphore(%arg13 : memref<!tpu.dma_semaphore, #tpu.memory_space<semaphore_mem>>) src(%dma_wait3A_207 : memref<1000000x128xf32, #tpu.memory_space<hbm>>) dst(%arg9 : memref<128x128xf32, #tpu.memory_space<vmem>>)
    %add3A_208 = arith.constant 1920 : i32
    %add3A_209 = arith.addi %mul3A_4, %add3A_208 : i32
    "tpu.region"() ({
      %run_scoped3A = tpu.sem_alloc : memref<!tpu.dma_semaphore, #tpu.memory_space<semaphore_mem>>
      %dma_start3A_315 = arith.constant 0 : i32
      %dma_start3A_316 = tpu.memref_slice %arg4[%add3A_209, %dma_start3A_315] : memref<106496x128xf32, #tpu.memory_space<hbm>> -> memref<128x128xf32, #tpu.memory_space<hbm>>
      %dma_start3A_317 = arith.constant 0 : i32
      %dma_start3A_318 = tpu.memref_slice %arg4[%add3A_209, %dma_start3A_317] : memref<106496x128xf32, #tpu.memory_space<hbm>> -> memref<128x128xf32, #tpu.memory_space<hbm>>
      tpu.enqueue_dma source(%arg9 : memref<128x128xf32, #tpu.memory_space<vmem>>) target(%dma_start3A_318 : memref<128x128xf32, #tpu.memory_space<hbm>>) target_semaphore(%run_scoped3A : memref<!tpu.dma_semaphore, #tpu.memory_space<semaphore_mem>>)
      %dma_wait3A_319 = arith.constant 0 : i32
      %dma_wait3A_320 = tpu.memref_slice %arg4[%add3A_209, %dma_wait3A_319] : memref<106496x128xf32, #tpu.memory_space<hbm>> -> memref<128x128xf32, #tpu.memory_space<hbm>>
      %dma_wait3A_321 = arith.constant 0 : i32
      %dma_wait3A_322 = tpu.memref_slice %arg4[%add3A_209, %dma_wait3A_321] : memref<106496x128xf32, #tpu.memory_space<hbm>> -> memref<128x128xf32, #tpu.memory_space<hbm>>
      tpu.wait_dma2 semaphore(%run_scoped3A : memref<!tpu.dma_semaphore, #tpu.memory_space<semaphore_mem>>) src(%arg9 : memref<128x128xf32, #tpu.memory_space<vmem>>) dst(%dma_wait3A_322 : memref<128x128xf32, #tpu.memory_space<hbm>>)
      tpu.yield
    }) : () -> ()
    %dma_start3A_210 = arith.constant 2432 : i32
    %dma_start3A_211 = tpu.memref_slice %arg5[%dma_start3A_210] : memref<3328xi32, #tpu.memory_space<vmem>> -> memref<128xi32, #tpu.memory_space<vmem>>
    %dma_start3A_212 = arith.constant 0 : i32
    %dma_start3A_213 = arith.constant 0 : i32
    %dma_start3A_214 = tpu.memref_slice %arg2[%dma_start3A_212, %dma_start3A_213] : memref<1000000x128xf32, #tpu.memory_space<hbm>> -> memref<1000000x128xf32, #tpu.memory_space<hbm>>
    tpu.enqueue_indirect_dma source(%dma_start3A_214 : memref<1000000x128xf32, #tpu.memory_space<hbm>>) target(%arg9 : memref<128x128xf32, #tpu.memory_space<vmem>>) offsets(%dma_start3A_211 : memref<128xi32, #tpu.memory_space<vmem>>) semaphore(%arg13 : memref<!tpu.dma_semaphore, #tpu.memory_space<semaphore_mem>>)
    %dma_wait3A_215 = arith.constant 2048 : i32
    %dma_wait3A_216 = tpu.memref_slice %arg5[%dma_wait3A_215] : memref<3328xi32, #tpu.memory_space<vmem>> -> memref<128xi32, #tpu.memory_space<vmem>>
    %dma_wait3A_217 = arith.constant 0 : i32
    %dma_wait3A_218 = arith.constant 0 : i32
    %dma_wait3A_219 = tpu.memref_slice %arg2[%dma_wait3A_217, %dma_wait3A_218] : memref<1000000x128xf32, #tpu.memory_space<hbm>> -> memref<1000000x128xf32, #tpu.memory_space<hbm>>
    tpu.wait_indirect_dma semaphore(%arg10 : memref<!tpu.dma_semaphore, #tpu.memory_space<semaphore_mem>>) src(%dma_wait3A_219 : memref<1000000x128xf32, #tpu.memory_space<hbm>>) dst(%arg6 : memref<128x128xf32, #tpu.memory_space<vmem>>)
    %add3A_220 = arith.constant 2048 : i32
    %add3A_221 = arith.addi %mul3A_4, %add3A_220 : i32
    "tpu.region"() ({
      %run_scoped3A = tpu.sem_alloc : memref<!tpu.dma_semaphore, #tpu.memory_space<semaphore_mem>>
      %dma_start3A_315 = arith.constant 0 : i32
      %dma_start3A_316 = tpu.memref_slice %arg4[%add3A_221, %dma_start3A_315] : memref<106496x128xf32, #tpu.memory_space<hbm>> -> memref<128x128xf32, #tpu.memory_space<hbm>>
      %dma_start3A_317 = arith.constant 0 : i32
      %dma_start3A_318 = tpu.memref_slice %arg4[%add3A_221, %dma_start3A_317] : memref<106496x128xf32, #tpu.memory_space<hbm>> -> memref<128x128xf32, #tpu.memory_space<hbm>>
      tpu.enqueue_dma source(%arg6 : memref<128x128xf32, #tpu.memory_space<vmem>>) target(%dma_start3A_318 : memref<128x128xf32, #tpu.memory_space<hbm>>) target_semaphore(%run_scoped3A : memref<!tpu.dma_semaphore, #tpu.memory_space<semaphore_mem>>)
      %dma_wait3A_319 = arith.constant 0 : i32
      %dma_wait3A_320 = tpu.memref_slice %arg4[%add3A_221, %dma_wait3A_319] : memref<106496x128xf32, #tpu.memory_space<hbm>> -> memref<128x128xf32, #tpu.memory_space<hbm>>
      %dma_wait3A_321 = arith.constant 0 : i32
      %dma_wait3A_322 = tpu.memref_slice %arg4[%add3A_221, %dma_wait3A_321] : memref<106496x128xf32, #tpu.memory_space<hbm>> -> memref<128x128xf32, #tpu.memory_space<hbm>>
      tpu.wait_dma2 semaphore(%run_scoped3A : memref<!tpu.dma_semaphore, #tpu.memory_space<semaphore_mem>>) src(%arg6 : memref<128x128xf32, #tpu.memory_space<vmem>>) dst(%dma_wait3A_322 : memref<128x128xf32, #tpu.memory_space<hbm>>)
      tpu.yield
    }) : () -> ()
    %dma_start3A_222 = arith.constant 2560 : i32
    %dma_start3A_223 = tpu.memref_slice %arg5[%dma_start3A_222] : memref<3328xi32, #tpu.memory_space<vmem>> -> memref<128xi32, #tpu.memory_space<vmem>>
    %dma_start3A_224 = arith.constant 0 : i32
    %dma_start3A_225 = arith.constant 0 : i32
    %dma_start3A_226 = tpu.memref_slice %arg2[%dma_start3A_224, %dma_start3A_225] : memref<1000000x128xf32, #tpu.memory_space<hbm>> -> memref<1000000x128xf32, #tpu.memory_space<hbm>>
    tpu.enqueue_indirect_dma source(%dma_start3A_226 : memref<1000000x128xf32, #tpu.memory_space<hbm>>) target(%arg6 : memref<128x128xf32, #tpu.memory_space<vmem>>) offsets(%dma_start3A_223 : memref<128xi32, #tpu.memory_space<vmem>>) semaphore(%arg10 : memref<!tpu.dma_semaphore, #tpu.memory_space<semaphore_mem>>)
    %dma_wait3A_227 = arith.constant 2176 : i32
    %dma_wait3A_228 = tpu.memref_slice %arg5[%dma_wait3A_227] : memref<3328xi32, #tpu.memory_space<vmem>> -> memref<128xi32, #tpu.memory_space<vmem>>
    %dma_wait3A_229 = arith.constant 0 : i32
    %dma_wait3A_230 = arith.constant 0 : i32
    %dma_wait3A_231 = tpu.memref_slice %arg2[%dma_wait3A_229, %dma_wait3A_230] : memref<1000000x128xf32, #tpu.memory_space<hbm>> -> memref<1000000x128xf32, #tpu.memory_space<hbm>>
    tpu.wait_indirect_dma semaphore(%arg11 : memref<!tpu.dma_semaphore, #tpu.memory_space<semaphore_mem>>) src(%dma_wait3A_231 : memref<1000000x128xf32, #tpu.memory_space<hbm>>) dst(%arg7 : memref<128x128xf32, #tpu.memory_space<vmem>>)
    %add3A_232 = arith.constant 2176 : i32
    %add3A_233 = arith.addi %mul3A_4, %add3A_232 : i32
    "tpu.region"() ({
      %run_scoped3A = tpu.sem_alloc : memref<!tpu.dma_semaphore, #tpu.memory_space<semaphore_mem>>
      %dma_start3A_315 = arith.constant 0 : i32
      %dma_start3A_316 = tpu.memref_slice %arg4[%add3A_233, %dma_start3A_315] : memref<106496x128xf32, #tpu.memory_space<hbm>> -> memref<128x128xf32, #tpu.memory_space<hbm>>
      %dma_start3A_317 = arith.constant 0 : i32
      %dma_start3A_318 = tpu.memref_slice %arg4[%add3A_233, %dma_start3A_317] : memref<106496x128xf32, #tpu.memory_space<hbm>> -> memref<128x128xf32, #tpu.memory_space<hbm>>
      tpu.enqueue_dma source(%arg7 : memref<128x128xf32, #tpu.memory_space<vmem>>) target(%dma_start3A_318 : memref<128x128xf32, #tpu.memory_space<hbm>>) target_semaphore(%run_scoped3A : memref<!tpu.dma_semaphore, #tpu.memory_space<semaphore_mem>>)
      %dma_wait3A_319 = arith.constant 0 : i32
      %dma_wait3A_320 = tpu.memref_slice %arg4[%add3A_233, %dma_wait3A_319] : memref<106496x128xf32, #tpu.memory_space<hbm>> -> memref<128x128xf32, #tpu.memory_space<hbm>>
      %dma_wait3A_321 = arith.constant 0 : i32
      %dma_wait3A_322 = tpu.memref_slice %arg4[%add3A_233, %dma_wait3A_321] : memref<106496x128xf32, #tpu.memory_space<hbm>> -> memref<128x128xf32, #tpu.memory_space<hbm>>
      tpu.wait_dma2 semaphore(%run_scoped3A : memref<!tpu.dma_semaphore, #tpu.memory_space<semaphore_mem>>) src(%arg7 : memref<128x128xf32, #tpu.memory_space<vmem>>) dst(%dma_wait3A_322 : memref<128x128xf32, #tpu.memory_space<hbm>>)
      tpu.yield
    }) : () -> ()
    %dma_start3A_234 = arith.constant 2688 : i32
    %dma_start3A_235 = tpu.memref_slice %arg5[%dma_start3A_234] : memref<3328xi32, #tpu.memory_space<vmem>> -> memref<128xi32, #tpu.memory_space<vmem>>
    %dma_start3A_236 = arith.constant 0 : i32
    %dma_start3A_237 = arith.constant 0 : i32
    %dma_start3A_238 = tpu.memref_slice %arg2[%dma_start3A_236, %dma_start3A_237] : memref<1000000x128xf32, #tpu.memory_space<hbm>> -> memref<1000000x128xf32, #tpu.memory_space<hbm>>
    tpu.enqueue_indirect_dma source(%dma_start3A_238 : memref<1000000x128xf32, #tpu.memory_space<hbm>>) target(%arg7 : memref<128x128xf32, #tpu.memory_space<vmem>>) offsets(%dma_start3A_235 : memref<128xi32, #tpu.memory_space<vmem>>) semaphore(%arg11 : memref<!tpu.dma_semaphore, #tpu.memory_space<semaphore_mem>>)
    %dma_wait3A_239 = arith.constant 2304 : i32
    %dma_wait3A_240 = tpu.memref_slice %arg5[%dma_wait3A_239] : memref<3328xi32, #tpu.memory_space<vmem>> -> memref<128xi32, #tpu.memory_space<vmem>>
    %dma_wait3A_241 = arith.constant 0 : i32
    %dma_wait3A_242 = arith.constant 0 : i32
    %dma_wait3A_243 = tpu.memref_slice %arg2[%dma_wait3A_241, %dma_wait3A_242] : memref<1000000x128xf32, #tpu.memory_space<hbm>> -> memref<1000000x128xf32, #tpu.memory_space<hbm>>
    tpu.wait_indirect_dma semaphore(%arg12 : memref<!tpu.dma_semaphore, #tpu.memory_space<semaphore_mem>>) src(%dma_wait3A_243 : memref<1000000x128xf32, #tpu.memory_space<hbm>>) dst(%arg8 : memref<128x128xf32, #tpu.memory_space<vmem>>)
    %add3A_244 = arith.constant 2304 : i32
    %add3A_245 = arith.addi %mul3A_4, %add3A_244 : i32
    "tpu.region"() ({
      %run_scoped3A = tpu.sem_alloc : memref<!tpu.dma_semaphore, #tpu.memory_space<semaphore_mem>>
      %dma_start3A_315 = arith.constant 0 : i32
      %dma_start3A_316 = tpu.memref_slice %arg4[%add3A_245, %dma_start3A_315] : memref<106496x128xf32, #tpu.memory_space<hbm>> -> memref<128x128xf32, #tpu.memory_space<hbm>>
      %dma_start3A_317 = arith.constant 0 : i32
      %dma_start3A_318 = tpu.memref_slice %arg4[%add3A_245, %dma_start3A_317] : memref<106496x128xf32, #tpu.memory_space<hbm>> -> memref<128x128xf32, #tpu.memory_space<hbm>>
      tpu.enqueue_dma source(%arg8 : memref<128x128xf32, #tpu.memory_space<vmem>>) target(%dma_start3A_318 : memref<128x128xf32, #tpu.memory_space<hbm>>) target_semaphore(%run_scoped3A : memref<!tpu.dma_semaphore, #tpu.memory_space<semaphore_mem>>)
      %dma_wait3A_319 = arith.constant 0 : i32
      %dma_wait3A_320 = tpu.memref_slice %arg4[%add3A_245, %dma_wait3A_319] : memref<106496x128xf32, #tpu.memory_space<hbm>> -> memref<128x128xf32, #tpu.memory_space<hbm>>
      %dma_wait3A_321 = arith.constant 0 : i32
      %dma_wait3A_322 = tpu.memref_slice %arg4[%add3A_245, %dma_wait3A_321] : memref<106496x128xf32, #tpu.memory_space<hbm>> -> memref<128x128xf32, #tpu.memory_space<hbm>>
      tpu.wait_dma2 semaphore(%run_scoped3A : memref<!tpu.dma_semaphore, #tpu.memory_space<semaphore_mem>>) src(%arg8 : memref<128x128xf32, #tpu.memory_space<vmem>>) dst(%dma_wait3A_322 : memref<128x128xf32, #tpu.memory_space<hbm>>)
      tpu.yield
    }) : () -> ()
    %dma_start3A_246 = arith.constant 2816 : i32
    %dma_start3A_247 = tpu.memref_slice %arg5[%dma_start3A_246] : memref<3328xi32, #tpu.memory_space<vmem>> -> memref<128xi32, #tpu.memory_space<vmem>>
    %dma_start3A_248 = arith.constant 0 : i32
    %dma_start3A_249 = arith.constant 0 : i32
    %dma_start3A_250 = tpu.memref_slice %arg2[%dma_start3A_248, %dma_start3A_249] : memref<1000000x128xf32, #tpu.memory_space<hbm>> -> memref<1000000x128xf32, #tpu.memory_space<hbm>>
    tpu.enqueue_indirect_dma source(%dma_start3A_250 : memref<1000000x128xf32, #tpu.memory_space<hbm>>) target(%arg8 : memref<128x128xf32, #tpu.memory_space<vmem>>) offsets(%dma_start3A_247 : memref<128xi32, #tpu.memory_space<vmem>>) semaphore(%arg12 : memref<!tpu.dma_semaphore, #tpu.memory_space<semaphore_mem>>)
    %dma_wait3A_251 = arith.constant 2432 : i32
    %dma_wait3A_252 = tpu.memref_slice %arg5[%dma_wait3A_251] : memref<3328xi32, #tpu.memory_space<vmem>> -> memref<128xi32, #tpu.memory_space<vmem>>
    %dma_wait3A_253 = arith.constant 0 : i32
    %dma_wait3A_254 = arith.constant 0 : i32
    %dma_wait3A_255 = tpu.memref_slice %arg2[%dma_wait3A_253, %dma_wait3A_254] : memref<1000000x128xf32, #tpu.memory_space<hbm>> -> memref<1000000x128xf32, #tpu.memory_space<hbm>>
    tpu.wait_indirect_dma semaphore(%arg13 : memref<!tpu.dma_semaphore, #tpu.memory_space<semaphore_mem>>) src(%dma_wait3A_255 : memref<1000000x128xf32, #tpu.memory_space<hbm>>) dst(%arg9 : memref<128x128xf32, #tpu.memory_space<vmem>>)
    %add3A_256 = arith.constant 2432 : i32
    %add3A_257 = arith.addi %mul3A_4, %add3A_256 : i32
    "tpu.region"() ({
      %run_scoped3A = tpu.sem_alloc : memref<!tpu.dma_semaphore, #tpu.memory_space<semaphore_mem>>
      %dma_start3A_315 = arith.constant 0 : i32
      %dma_start3A_316 = tpu.memref_slice %arg4[%add3A_257, %dma_start3A_315] : memref<106496x128xf32, #tpu.memory_space<hbm>> -> memref<128x128xf32, #tpu.memory_space<hbm>>
      %dma_start3A_317 = arith.constant 0 : i32
      %dma_start3A_318 = tpu.memref_slice %arg4[%add3A_257, %dma_start3A_317] : memref<106496x128xf32, #tpu.memory_space<hbm>> -> memref<128x128xf32, #tpu.memory_space<hbm>>
      tpu.enqueue_dma source(%arg9 : memref<128x128xf32, #tpu.memory_space<vmem>>) target(%dma_start3A_318 : memref<128x128xf32, #tpu.memory_space<hbm>>) target_semaphore(%run_scoped3A : memref<!tpu.dma_semaphore, #tpu.memory_space<semaphore_mem>>)
      %dma_wait3A_319 = arith.constant 0 : i32
      %dma_wait3A_320 = tpu.memref_slice %arg4[%add3A_257, %dma_wait3A_319] : memref<106496x128xf32, #tpu.memory_space<hbm>> -> memref<128x128xf32, #tpu.memory_space<hbm>>
      %dma_wait3A_321 = arith.constant 0 : i32
      %dma_wait3A_322 = tpu.memref_slice %arg4[%add3A_257, %dma_wait3A_321] : memref<106496x128xf32, #tpu.memory_space<hbm>> -> memref<128x128xf32, #tpu.memory_space<hbm>>
      tpu.wait_dma2 semaphore(%run_scoped3A : memref<!tpu.dma_semaphore, #tpu.memory_space<semaphore_mem>>) src(%arg9 : memref<128x128xf32, #tpu.memory_space<vmem>>) dst(%dma_wait3A_322 : memref<128x128xf32, #tpu.memory_space<hbm>>)
      tpu.yield
    }) : () -> ()
    %dma_start3A_258 = arith.constant 2944 : i32
    %dma_start3A_259 = tpu.memref_slice %arg5[%dma_start3A_258] : memref<3328xi32, #tpu.memory_space<vmem>> -> memref<128xi32, #tpu.memory_space<vmem>>
    %dma_start3A_260 = arith.constant 0 : i32
    %dma_start3A_261 = arith.constant 0 : i32
    %dma_start3A_262 = tpu.memref_slice %arg2[%dma_start3A_260, %dma_start3A_261] : memref<1000000x128xf32, #tpu.memory_space<hbm>> -> memref<1000000x128xf32, #tpu.memory_space<hbm>>
    tpu.enqueue_indirect_dma source(%dma_start3A_262 : memref<1000000x128xf32, #tpu.memory_space<hbm>>) target(%arg9 : memref<128x128xf32, #tpu.memory_space<vmem>>) offsets(%dma_start3A_259 : memref<128xi32, #tpu.memory_space<vmem>>) semaphore(%arg13 : memref<!tpu.dma_semaphore, #tpu.memory_space<semaphore_mem>>)
    %dma_wait3A_263 = arith.constant 2560 : i32
    %dma_wait3A_264 = tpu.memref_slice %arg5[%dma_wait3A_263] : memref<3328xi32, #tpu.memory_space<vmem>> -> memref<128xi32, #tpu.memory_space<vmem>>
    %dma_wait3A_265 = arith.constant 0 : i32
    %dma_wait3A_266 = arith.constant 0 : i32
    %dma_wait3A_267 = tpu.memref_slice %arg2[%dma_wait3A_265, %dma_wait3A_266] : memref<1000000x128xf32, #tpu.memory_space<hbm>> -> memref<1000000x128xf32, #tpu.memory_space<hbm>>
    tpu.wait_indirect_dma semaphore(%arg10 : memref<!tpu.dma_semaphore, #tpu.memory_space<semaphore_mem>>) src(%dma_wait3A_267 : memref<1000000x128xf32, #tpu.memory_space<hbm>>) dst(%arg6 : memref<128x128xf32, #tpu.memory_space<vmem>>)
    %add3A_268 = arith.constant 2560 : i32
    %add3A_269 = arith.addi %mul3A_4, %add3A_268 : i32
    "tpu.region"() ({
      %run_scoped3A = tpu.sem_alloc : memref<!tpu.dma_semaphore, #tpu.memory_space<semaphore_mem>>
      %dma_start3A_315 = arith.constant 0 : i32
      %dma_start3A_316 = tpu.memref_slice %arg4[%add3A_269, %dma_start3A_315] : memref<106496x128xf32, #tpu.memory_space<hbm>> -> memref<128x128xf32, #tpu.memory_space<hbm>>
      %dma_start3A_317 = arith.constant 0 : i32
      %dma_start3A_318 = tpu.memref_slice %arg4[%add3A_269, %dma_start3A_317] : memref<106496x128xf32, #tpu.memory_space<hbm>> -> memref<128x128xf32, #tpu.memory_space<hbm>>
      tpu.enqueue_dma source(%arg6 : memref<128x128xf32, #tpu.memory_space<vmem>>) target(%dma_start3A_318 : memref<128x128xf32, #tpu.memory_space<hbm>>) target_semaphore(%run_scoped3A : memref<!tpu.dma_semaphore, #tpu.memory_space<semaphore_mem>>)
      %dma_wait3A_319 = arith.constant 0 : i32
      %dma_wait3A_320 = tpu.memref_slice %arg4[%add3A_269, %dma_wait3A_319] : memref<106496x128xf32, #tpu.memory_space<hbm>> -> memref<128x128xf32, #tpu.memory_space<hbm>>
      %dma_wait3A_321 = arith.constant 0 : i32
      %dma_wait3A_322 = tpu.memref_slice %arg4[%add3A_269, %dma_wait3A_321] : memref<106496x128xf32, #tpu.memory_space<hbm>> -> memref<128x128xf32, #tpu.memory_space<hbm>>
      tpu.wait_dma2 semaphore(%run_scoped3A : memref<!tpu.dma_semaphore, #tpu.memory_space<semaphore_mem>>) src(%arg6 : memref<128x128xf32, #tpu.memory_space<vmem>>) dst(%dma_wait3A_322 : memref<128x128xf32, #tpu.memory_space<hbm>>)
      tpu.yield
    }) : () -> ()
    %dma_start3A_270 = arith.constant 3072 : i32
    %dma_start3A_271 = tpu.memref_slice %arg5[%dma_start3A_270] : memref<3328xi32, #tpu.memory_space<vmem>> -> memref<128xi32, #tpu.memory_space<vmem>>
    %dma_start3A_272 = arith.constant 0 : i32
    %dma_start3A_273 = arith.constant 0 : i32
    %dma_start3A_274 = tpu.memref_slice %arg2[%dma_start3A_272, %dma_start3A_273] : memref<1000000x128xf32, #tpu.memory_space<hbm>> -> memref<1000000x128xf32, #tpu.memory_space<hbm>>
    tpu.enqueue_indirect_dma source(%dma_start3A_274 : memref<1000000x128xf32, #tpu.memory_space<hbm>>) target(%arg6 : memref<128x128xf32, #tpu.memory_space<vmem>>) offsets(%dma_start3A_271 : memref<128xi32, #tpu.memory_space<vmem>>) semaphore(%arg10 : memref<!tpu.dma_semaphore, #tpu.memory_space<semaphore_mem>>)
    %dma_wait3A_275 = arith.constant 2688 : i32
    %dma_wait3A_276 = tpu.memref_slice %arg5[%dma_wait3A_275] : memref<3328xi32, #tpu.memory_space<vmem>> -> memref<128xi32, #tpu.memory_space<vmem>>
    %dma_wait3A_277 = arith.constant 0 : i32
    %dma_wait3A_278 = arith.constant 0 : i32
    %dma_wait3A_279 = tpu.memref_slice %arg2[%dma_wait3A_277, %dma_wait3A_278] : memref<1000000x128xf32, #tpu.memory_space<hbm>> -> memref<1000000x128xf32, #tpu.memory_space<hbm>>
    tpu.wait_indirect_dma semaphore(%arg11 : memref<!tpu.dma_semaphore, #tpu.memory_space<semaphore_mem>>) src(%dma_wait3A_279 : memref<1000000x128xf32, #tpu.memory_space<hbm>>) dst(%arg7 : memref<128x128xf32, #tpu.memory_space<vmem>>)
    %add3A_280 = arith.constant 2688 : i32
    %add3A_281 = arith.addi %mul3A_4, %add3A_280 : i32
    "tpu.region"() ({
      %run_scoped3A = tpu.sem_alloc : memref<!tpu.dma_semaphore, #tpu.memory_space<semaphore_mem>>
      %dma_start3A_315 = arith.constant 0 : i32
      %dma_start3A_316 = tpu.memref_slice %arg4[%add3A_281, %dma_start3A_315] : memref<106496x128xf32, #tpu.memory_space<hbm>> -> memref<128x128xf32, #tpu.memory_space<hbm>>
      %dma_start3A_317 = arith.constant 0 : i32
      %dma_start3A_318 = tpu.memref_slice %arg4[%add3A_281, %dma_start3A_317] : memref<106496x128xf32, #tpu.memory_space<hbm>> -> memref<128x128xf32, #tpu.memory_space<hbm>>
      tpu.enqueue_dma source(%arg7 : memref<128x128xf32, #tpu.memory_space<vmem>>) target(%dma_start3A_318 : memref<128x128xf32, #tpu.memory_space<hbm>>) target_semaphore(%run_scoped3A : memref<!tpu.dma_semaphore, #tpu.memory_space<semaphore_mem>>)
      %dma_wait3A_319 = arith.constant 0 : i32
      %dma_wait3A_320 = tpu.memref_slice %arg4[%add3A_281, %dma_wait3A_319] : memref<106496x128xf32, #tpu.memory_space<hbm>> -> memref<128x128xf32, #tpu.memory_space<hbm>>
      %dma_wait3A_321 = arith.constant 0 : i32
      %dma_wait3A_322 = tpu.memref_slice %arg4[%add3A_281, %dma_wait3A_321] : memref<106496x128xf32, #tpu.memory_space<hbm>> -> memref<128x128xf32, #tpu.memory_space<hbm>>
      tpu.wait_dma2 semaphore(%run_scoped3A : memref<!tpu.dma_semaphore, #tpu.memory_space<semaphore_mem>>) src(%arg7 : memref<128x128xf32, #tpu.memory_space<vmem>>) dst(%dma_wait3A_322 : memref<128x128xf32, #tpu.memory_space<hbm>>)
      tpu.yield
    }) : () -> ()
    %dma_start3A_282 = arith.constant 3200 : i32
    %dma_start3A_283 = tpu.memref_slice %arg5[%dma_start3A_282] : memref<3328xi32, #tpu.memory_space<vmem>> -> memref<128xi32, #tpu.memory_space<vmem>>
    %dma_start3A_284 = arith.constant 0 : i32
    %dma_start3A_285 = arith.constant 0 : i32
    %dma_start3A_286 = tpu.memref_slice %arg2[%dma_start3A_284, %dma_start3A_285] : memref<1000000x128xf32, #tpu.memory_space<hbm>> -> memref<1000000x128xf32, #tpu.memory_space<hbm>>
    tpu.enqueue_indirect_dma source(%dma_start3A_286 : memref<1000000x128xf32, #tpu.memory_space<hbm>>) target(%arg7 : memref<128x128xf32, #tpu.memory_space<vmem>>) offsets(%dma_start3A_283 : memref<128xi32, #tpu.memory_space<vmem>>) semaphore(%arg11 : memref<!tpu.dma_semaphore, #tpu.memory_space<semaphore_mem>>)
    %dma_wait3A_287 = arith.constant 2816 : i32
    %dma_wait3A_288 = tpu.memref_slice %arg5[%dma_wait3A_287] : memref<3328xi32, #tpu.memory_space<vmem>> -> memref<128xi32, #tpu.memory_space<vmem>>
    %dma_wait3A_289 = arith.constant 0 : i32
    %dma_wait3A_290 = arith.constant 0 : i32
    %dma_wait3A_291 = tpu.memref_slice %arg2[%dma_wait3A_289, %dma_wait3A_290] : memref<1000000x128xf32, #tpu.memory_space<hbm>> -> memref<1000000x128xf32, #tpu.memory_space<hbm>>
    tpu.wait_indirect_dma semaphore(%arg12 : memref<!tpu.dma_semaphore, #tpu.memory_space<semaphore_mem>>) src(%dma_wait3A_291 : memref<1000000x128xf32, #tpu.memory_space<hbm>>) dst(%arg8 : memref<128x128xf32, #tpu.memory_space<vmem>>)
    %add3A_292 = arith.constant 2816 : i32
    %add3A_293 = arith.addi %mul3A_4, %add3A_292 : i32
    "tpu.region"() ({
      %run_scoped3A = tpu.sem_alloc : memref<!tpu.dma_semaphore, #tpu.memory_space<semaphore_mem>>
      %dma_start3A_315 = arith.constant 0 : i32
      %dma_start3A_316 = tpu.memref_slice %arg4[%add3A_293, %dma_start3A_315] : memref<106496x128xf32, #tpu.memory_space<hbm>> -> memref<128x128xf32, #tpu.memory_space<hbm>>
      %dma_start3A_317 = arith.constant 0 : i32
      %dma_start3A_318 = tpu.memref_slice %arg4[%add3A_293, %dma_start3A_317] : memref<106496x128xf32, #tpu.memory_space<hbm>> -> memref<128x128xf32, #tpu.memory_space<hbm>>
      tpu.enqueue_dma source(%arg8 : memref<128x128xf32, #tpu.memory_space<vmem>>) target(%dma_start3A_318 : memref<128x128xf32, #tpu.memory_space<hbm>>) target_semaphore(%run_scoped3A : memref<!tpu.dma_semaphore, #tpu.memory_space<semaphore_mem>>)
      %dma_wait3A_319 = arith.constant 0 : i32
      %dma_wait3A_320 = tpu.memref_slice %arg4[%add3A_293, %dma_wait3A_319] : memref<106496x128xf32, #tpu.memory_space<hbm>> -> memref<128x128xf32, #tpu.memory_space<hbm>>
      %dma_wait3A_321 = arith.constant 0 : i32
      %dma_wait3A_322 = tpu.memref_slice %arg4[%add3A_293, %dma_wait3A_321] : memref<106496x128xf32, #tpu.memory_space<hbm>> -> memref<128x128xf32, #tpu.memory_space<hbm>>
      tpu.wait_dma2 semaphore(%run_scoped3A : memref<!tpu.dma_semaphore, #tpu.memory_space<semaphore_mem>>) src(%arg8 : memref<128x128xf32, #tpu.memory_space<vmem>>) dst(%dma_wait3A_322 : memref<128x128xf32, #tpu.memory_space<hbm>>)
      tpu.yield
    }) : () -> ()
    %dma_wait3A_294 = arith.constant 2944 : i32
    %dma_wait3A_295 = tpu.memref_slice %arg5[%dma_wait3A_294] : memref<3328xi32, #tpu.memory_space<vmem>> -> memref<128xi32, #tpu.memory_space<vmem>>
    %dma_wait3A_296 = arith.constant 0 : i32
    %dma_wait3A_297 = arith.constant 0 : i32
    %dma_wait3A_298 = tpu.memref_slice %arg2[%dma_wait3A_296, %dma_wait3A_297] : memref<1000000x128xf32, #tpu.memory_space<hbm>> -> memref<1000000x128xf32, #tpu.memory_space<hbm>>
    tpu.wait_indirect_dma semaphore(%arg13 : memref<!tpu.dma_semaphore, #tpu.memory_space<semaphore_mem>>) src(%dma_wait3A_298 : memref<1000000x128xf32, #tpu.memory_space<hbm>>) dst(%arg9 : memref<128x128xf32, #tpu.memory_space<vmem>>)
    %add3A_299 = arith.constant 2944 : i32
    %add3A_300 = arith.addi %mul3A_4, %add3A_299 : i32
    "tpu.region"() ({
      %run_scoped3A = tpu.sem_alloc : memref<!tpu.dma_semaphore, #tpu.memory_space<semaphore_mem>>
      %dma_start3A_315 = arith.constant 0 : i32
      %dma_start3A_316 = tpu.memref_slice %arg4[%add3A_300, %dma_start3A_315] : memref<106496x128xf32, #tpu.memory_space<hbm>> -> memref<128x128xf32, #tpu.memory_space<hbm>>
      %dma_start3A_317 = arith.constant 0 : i32
      %dma_start3A_318 = tpu.memref_slice %arg4[%add3A_300, %dma_start3A_317] : memref<106496x128xf32, #tpu.memory_space<hbm>> -> memref<128x128xf32, #tpu.memory_space<hbm>>
      tpu.enqueue_dma source(%arg9 : memref<128x128xf32, #tpu.memory_space<vmem>>) target(%dma_start3A_318 : memref<128x128xf32, #tpu.memory_space<hbm>>) target_semaphore(%run_scoped3A : memref<!tpu.dma_semaphore, #tpu.memory_space<semaphore_mem>>)
      %dma_wait3A_319 = arith.constant 0 : i32
      %dma_wait3A_320 = tpu.memref_slice %arg4[%add3A_300, %dma_wait3A_319] : memref<106496x128xf32, #tpu.memory_space<hbm>> -> memref<128x128xf32, #tpu.memory_space<hbm>>
      %dma_wait3A_321 = arith.constant 0 : i32
      %dma_wait3A_322 = tpu.memref_slice %arg4[%add3A_300, %dma_wait3A_321] : memref<106496x128xf32, #tpu.memory_space<hbm>> -> memref<128x128xf32, #tpu.memory_space<hbm>>
      tpu.wait_dma2 semaphore(%run_scoped3A : memref<!tpu.dma_semaphore, #tpu.memory_space<semaphore_mem>>) src(%arg9 : memref<128x128xf32, #tpu.memory_space<vmem>>) dst(%dma_wait3A_322 : memref<128x128xf32, #tpu.memory_space<hbm>>)
      tpu.yield
    }) : () -> ()
    %dma_wait3A_301 = arith.constant 3072 : i32
    %dma_wait3A_302 = tpu.memref_slice %arg5[%dma_wait3A_301] : memref<3328xi32, #tpu.memory_space<vmem>> -> memref<128xi32, #tpu.memory_space<vmem>>
    %dma_wait3A_303 = arith.constant 0 : i32
    %dma_wait3A_304 = arith.constant 0 : i32
    %dma_wait3A_305 = tpu.memref_slice %arg2[%dma_wait3A_303, %dma_wait3A_304] : memref<1000000x128xf32, #tpu.memory_space<hbm>> -> memref<1000000x128xf32, #tpu.memory_space<hbm>>
    tpu.wait_indirect_dma semaphore(%arg10 : memref<!tpu.dma_semaphore, #tpu.memory_space<semaphore_mem>>) src(%dma_wait3A_305 : memref<1000000x128xf32, #tpu.memory_space<hbm>>) dst(%arg6 : memref<128x128xf32, #tpu.memory_space<vmem>>)
    %add3A_306 = arith.constant 3072 : i32
    %add3A_307 = arith.addi %mul3A_4, %add3A_306 : i32
    "tpu.region"() ({
      %run_scoped3A = tpu.sem_alloc : memref<!tpu.dma_semaphore, #tpu.memory_space<semaphore_mem>>
      %dma_start3A_315 = arith.constant 0 : i32
      %dma_start3A_316 = tpu.memref_slice %arg4[%add3A_307, %dma_start3A_315] : memref<106496x128xf32, #tpu.memory_space<hbm>> -> memref<128x128xf32, #tpu.memory_space<hbm>>
      %dma_start3A_317 = arith.constant 0 : i32
      %dma_start3A_318 = tpu.memref_slice %arg4[%add3A_307, %dma_start3A_317] : memref<106496x128xf32, #tpu.memory_space<hbm>> -> memref<128x128xf32, #tpu.memory_space<hbm>>
      tpu.enqueue_dma source(%arg6 : memref<128x128xf32, #tpu.memory_space<vmem>>) target(%dma_start3A_318 : memref<128x128xf32, #tpu.memory_space<hbm>>) target_semaphore(%run_scoped3A : memref<!tpu.dma_semaphore, #tpu.memory_space<semaphore_mem>>)
      %dma_wait3A_319 = arith.constant 0 : i32
      %dma_wait3A_320 = tpu.memref_slice %arg4[%add3A_307, %dma_wait3A_319] : memref<106496x128xf32, #tpu.memory_space<hbm>> -> memref<128x128xf32, #tpu.memory_space<hbm>>
      %dma_wait3A_321 = arith.constant 0 : i32
      %dma_wait3A_322 = tpu.memref_slice %arg4[%add3A_307, %dma_wait3A_321] : memref<106496x128xf32, #tpu.memory_space<hbm>> -> memref<128x128xf32, #tpu.memory_space<hbm>>
      tpu.wait_dma2 semaphore(%run_scoped3A : memref<!tpu.dma_semaphore, #tpu.memory_space<semaphore_mem>>) src(%arg6 : memref<128x128xf32, #tpu.memory_space<vmem>>) dst(%dma_wait3A_322 : memref<128x128xf32, #tpu.memory_space<hbm>>)
      tpu.yield
    }) : () -> ()
    %dma_wait3A_308 = arith.constant 3200 : i32
    %dma_wait3A_309 = tpu.memref_slice %arg5[%dma_wait3A_308] : memref<3328xi32, #tpu.memory_space<vmem>> -> memref<128xi32, #tpu.memory_space<vmem>>
    %dma_wait3A_310 = arith.constant 0 : i32
    %dma_wait3A_311 = arith.constant 0 : i32
    %dma_wait3A_312 = tpu.memref_slice %arg2[%dma_wait3A_310, %dma_wait3A_311] : memref<1000000x128xf32, #tpu.memory_space<hbm>> -> memref<1000000x128xf32, #tpu.memory_space<hbm>>
    tpu.wait_indirect_dma semaphore(%arg11 : memref<!tpu.dma_semaphore, #tpu.memory_space<semaphore_mem>>) src(%dma_wait3A_312 : memref<1000000x128xf32, #tpu.memory_space<hbm>>) dst(%arg7 : memref<128x128xf32, #tpu.memory_space<vmem>>)
    %add3A_313 = arith.constant 3200 : i32
    %add3A_314 = arith.addi %mul3A_4, %add3A_313 : i32
    "tpu.region"() ({
      %run_scoped3A = tpu.sem_alloc : memref<!tpu.dma_semaphore, #tpu.memory_space<semaphore_mem>>
      %dma_start3A_315 = arith.constant 0 : i32
      %dma_start3A_316 = tpu.memref_slice %arg4[%add3A_314, %dma_start3A_315] : memref<106496x128xf32, #tpu.memory_space<hbm>> -> memref<128x128xf32, #tpu.memory_space<hbm>>
      %dma_start3A_317 = arith.constant 0 : i32
      %dma_start3A_318 = tpu.memref_slice %arg4[%add3A_314, %dma_start3A_317] : memref<106496x128xf32, #tpu.memory_space<hbm>> -> memref<128x128xf32, #tpu.memory_space<hbm>>
      tpu.enqueue_dma source(%arg7 : memref<128x128xf32, #tpu.memory_space<vmem>>) target(%dma_start3A_318 : memref<128x128xf32, #tpu.memory_space<hbm>>) target_semaphore(%run_scoped3A : memref<!tpu.dma_semaphore, #tpu.memory_space<semaphore_mem>>)
      %dma_wait3A_319 = arith.constant 0 : i32
      %dma_wait3A_320 = tpu.memref_slice %arg4[%add3A_314, %dma_wait3A_319] : memref<106496x128xf32, #tpu.memory_space<hbm>> -> memref<128x128xf32, #tpu.memory_space<hbm>>
      %dma_wait3A_321 = arith.constant 0 : i32
      %dma_wait3A_322 = tpu.memref_slice %arg4[%add3A_314, %dma_wait3A_321] : memref<106496x128xf32, #tpu.memory_space<hbm>> -> memref<128x128xf32, #tpu.memory_space<hbm>>
      tpu.wait_dma2 semaphore(%run_scoped3A : memref<!tpu.dma_semaphore, #tpu.memory_space<semaphore_mem>>) src(%arg7 : memref<128x128xf32, #tpu.memory_space<vmem>>) dst(%dma_wait3A_322 : memref<128x128xf32, #tpu.memory_space<hbm>>)
      tpu.yield
    }) : () -> ()
    return
  }
}

</mosaic_0001>

<sc_bundles>
// kernel: kernel.3.cloned.1.call-start
scs
__scs_entry_jumppad:
0x0: {  	(pc) =	sbr.rel $0x88, $3  }
0x1: {  	(tag) =	ssettag $0x0;
	lr =	simm.s32 $0x1  }
0x2: {  	[smem:$0x3F9F] =	sst lr;
	_ =	strace $0xD0000000  }
0x3: {  	_ = 	snop  }
0x4: {  	_ = 	snop  }
0x5: {  	_ = 	snop  }
0x6: {  	_ = 	snop  }
0x7: {  	_ = 	snop  }
__scs_overlays_trampoline_lowered:
0x8: {  	[smem:$0x3FAE] =	sst s0  }
0x9: {  	[smem:$0x3FAF] =	sst s1  }
0xa: {  	[smem:$0x3FB0] =	sst s2  }
0xb: {  	[smem:$0x3FB1] =	sst s3  }
0xc: {  	[smem:$0x3FB2] =	sst s4  }
0xd: {  	[smem:$0x3FB3] =	sst s5  }
0xe: {  	[smem:$0x3FB4] =	sst s6  }
0xf: {  	[smem:$0x3FB5] =	sst s7  }
0x10: {  	[smem:$0x3FB6] =	sst s8  }
0x11: {  	[smem:$0x3FB7] =	sst s9;
	s0 =	simm.s32 @!p0 $0x0  }
0x12: {  	s1 =	sld [smem:$0x3F9D];
	s0 =	simm.s32 @p0 $0x1  }
0x13: {  	[smem:$0x3FB8] =	sst s0;
	s0 =	simm.s32 @!p1 $0x0  }
0x14: {  	s2 =	sld [smem:$0x3F9C];
	s0 =	simm.s32 @p1 $0x1  }
0x15: {  	[smem:$0x3FB9] =	sst s0;
	s0 =	simm.s32 @!p2 $0x0  }
0x16: {  	s3 =	sld [smem:$0x3FDB];
	s0 =	simm.s32 @p2 $0x1  }
0x17: {  	s4 =	simm.s32 $0x1BF5;
	[smem:$0x3FBB] =	sst s0  }
0x18: {  	s0 =	sld [smem:$0x3F9E];
	_ =	swait.ge [sflag:s4], $0x0  }
0x19: {  	s7 =	sld [smem:$0x3F9F]  }
0x1a: {  	s8 =	sadd.s32 $0xFFFFE003, lr  }
0x1b: {  	s9 =	sadd.s32 $0xFFFFFEF7, lr;
	s5 =	simm.s32 $0xFFFFFFFF;
	p2 =	slt.u32 s8, $0xFFFFF086  }
0x1c: {  	p1 =	slt.u32 s9, $0xF7A;
	s5 =	simm.s32 @!p2 $0x0  }
0x1d: {  	s5 =	simm.s32 @p1 $0x1;
	p0 =	seq.s32 s7, s2  }
0x1e: {  	s7 =	smul.u32 @!p0 $0xF7A, s2;
	p2 =	seq.s32 @!p0 s5, $0x0  }
0x1f: {  	s9 =	smul.u32 $0xF7A, s1;
	s8 =	simm.s32 @!p0 $0x1BF5;
	p2 =	por !p2, p0  }
0x20: {  	[sflag:s8] =	ssyncset.s32 @!p0 $0xFFFFF086;
	s6 =	sadd.s32 @!p0 s3, s7;
	s7 =	simm.s32 @!p0 $0x108  }
0x21: {  	s3 =	sadd.s32 s3, s9;
	s6 =	sadd.s32 @!p0 $0x88, s6;
	s7 =	simm.s32 @p2 $0x1082  }
0x22: {  	[simem:s7], [sflag:s8] =	dma.local @!p0 [hbm:s6], $0xF7A  }
0x23: {  	s9 =	sor.u32 $0xD0000000, s2;
	s6 =	simm.s32 $0x108;
	_ =	swait.ge @!p0 [sflag:s8], $0x0  }
0x24: {  	s3 =	sadd.s32 $0x88, s3;
	s6 =	simm.s32 @!p1 $0x1082;
	[sflag:s4] =	ssyncset.s32 $0xFFFFF086  }
0x25: {  	[simem:s6], [sflag:s4] =	dma.local [hbm:s3], $0xF7A  }
0x26: {  	[smem:$0x3F9F] =	sst s1;
	(tag) =	ssettag s2;
	_ =	strace s9  }
0x27: {  	s1 =	sld [smem:$0x3FAF]  }
0x28: {  	s2 =	sld [smem:$0x3FB0]  }
0x29: {  	s4 =	sld [smem:$0x3FB2]  }
0x2a: {  	p0 =	seq.s32 s5, $0x0;
	s5 =	sld [smem:$0x3FB3]  }
0x2b: {  	s6 =	sld [smem:$0x3FB4]  }
0x2c: {  	s7 =	sld [smem:$0x3FB5]  }
0x2d: {  	s3 =	simm.s32 $0x108;
	s8 =	sld [smem:$0x3FB6]  }
0x2e: {  	s3 =	simm.s32 @!p0 $0x1082;
	s9 =	sld [smem:$0x3FB7]  }
0x2f: {  	lr =	sadd.s32 s0, s3;
	s0 =	sld [smem:$0x3FAE]  }
0x30: {  	s3 =	sld [smem:$0x3FB1]  }
0x31: {  	[smem:$0x3FBA] =	sst s10  }
0x32: {  	s10 =	sld [smem:$0x3FB8];
	_ =	sdelay $0x3  }
0x33: {  	p0 =	seq.s32 s10, $0x1;
	s10 =	sld [smem:$0x3FBA];
	_ =	sdelay $0x3  }
0x34: {  	[smem:$0x3FBA] =	sst s10  }
0x35: {  	s10 =	sld [smem:$0x3FB9];
	_ =	sdelay $0x3  }
0x36: {  	p1 =	seq.s32 s10, $0x1;
	s10 =	sld [smem:$0x3FBA];
	_ =	sdelay $0x3  }
0x37: {  	[smem:$0x3FBA] =	sst s10  }
0x38: {  	s10 =	sld [smem:$0x3FBB]  }
0x39: {  	_ = 	snop;
	(pc) =	sbr.ind lr, $3  }
0x3a: {  	_ = 	snop  }
0x3b: {  	_ = 	snop  }
0x3c: {  	p2 =	seq.s32 s10, $0x1;
	s10 =	sld [smem:$0x3FBA]  }
0x3d: {  	_ =	shalt  }
0x3e: {  	_ =	shalt  }
0x3f: {  	_ =	shalt  }
0x40: {  	_ =	shalt  }
0x41: {  	_ =	shalt  }
0x42: {  	_ =	shalt  }
0x43: {  	_ =	shalt  }
0x44: {  	_ =	shalt  }
0x45: {  	_ =	shalt  }
0x46: {  	_ =	shalt  }
0x47: {  	_ =	shalt  }
0x48: {  	_ =	shalt  }
0x49: {  	_ =	shalt  }
0x4a: {  	_ =	shalt  }
0x4b: {  	_ =	shalt  }
0x4c: {  	_ =	shalt  }
0x4d: {  	_ =	shalt  }
0x4e: {  	_ =	shalt  }
0x4f: {  	_ =	shalt  }
0x50: {  	_ =	shalt  }
0x51: {  	_ =	shalt  }
0x52: {  	_ =	shalt  }
0x53: {  	_ =	shalt  }
0x54: {  	_ =	shalt  }
0x55: {  	_ =	shalt  }
0x56: {  	_ =	shalt  }
0x57: {  	_ =	shalt  }
0x58: {  	_ =	shalt  }
0x59: {  	_ =	shalt  }
0x5a: {  	_ =	shalt  }
0x5b: {  	_ =	shalt  }
0x5c: {  	_ =	shalt  }
0x5d: {  	_ =	shalt  }
0x5e: {  	_ =	shalt  }
0x5f: {  	_ =	shalt  }
0x60: {  	_ =	shalt  }
0x61: {  	_ =	shalt  }
0x62: {  	_ =	shalt  }
0x63: {  	_ =	shalt  }
0x64: {  	_ =	shalt  }
0x65: {  	_ =	shalt  }
0x66: {  	_ =	shalt  }
0x67: {  	_ =	shalt  }
0x68: {  	_ =	shalt  }
0x69: {  	_ =	shalt  }
0x6a: {  	_ =	shalt  }
0x6b: {  	_ =	shalt  }
0x6c: {  	_ =	shalt  }
0x6d: {  	_ =	shalt  }
0x6e: {  	_ =	shalt  }
0x6f: {  	_ =	shalt  }
0x70: {  	_ =	shalt  }
0x71: {  	_ =	shalt  }
0x72: {  	_ =	shalt  }
0x73: {  	_ =	shalt  }
0x74: {  	_ =	shalt  }
0x75: {  	_ =	shalt  }
0x76: {  	_ =	shalt  }
0x77: {  	_ =	shalt  }
0x78: {  	_ =	shalt  }
0x79: {  	_ =	shalt  }
0x7a: {  	_ =	shalt  }
0x7b: {  	_ =	shalt  }
0x7c: {  	_ =	shalt  }
0x7d: {  	_ =	shalt  }
0x7e: {  	_ =	shalt  }
0x7f: {  	_ =	shalt  }
0x80: {  	_ =	shalt  }
0x81: {  	_ =	shalt  }
0x82: {  	_ =	shalt  }
0x83: {  	_ =	shalt  }
0x84: {  	_ =	shalt  }
0x85: {  	_ =	shalt  }
0x86: {  	_ =	shalt  }
0x87: {  	_ =	shalt  }
.Lfunc_end0:
.L_simem_size_0:
called_computation_lowered:
.L_overlay_start_0:
0x88: {  	s2 =	sld [smem:$0x3FD9]  }
0x89: {  	s3 =	sld [smem:$0x3FFE];
	_ =	sdelay $0x1  }
0x8a: {  	s1 =	srdreg.scid  }
0x8b: {  	s0 =	sand.u32 $0x1, s1  }
0x8c: {  	s17 =	sshll.u32 s0, $0xA;
	s2 =	sadd.s32 s3, s2  }
0x8d: {  	s2 =	sadd.s32 s2, s17  }
0x8e: {  	[smem:$0x3FC6] =	sst s2  }
0x8f: {  	_ = 	snop  }
0x90: {  	s2 =	sld [smem:$0x3FD0];
	(tm) =	ssettm $0x1  }
0x91: {  	s18 =	sld [smem:$0x3FFB];
	_ =	sdelay $0x3  }
0x92: {  	_ =	strace s18  }
0x93: {  	s3 =	sld [smem:$0x3FFC];
	_ =	sdelay $0x3  }
0x94: {  	_ =	strace s3  }
0x95: {  	s3 =	sld [smem:$0x3FFD];
	_ =	sdelay $0x3  }
0x96: {  	_ =	strace s3  }
0x97: {  	_ =	strace $0x8FFFFFFF  }
0x98: {  	s19 =	sld [smem:$0x3FDB];
	_ =	sdelay $0x1  }
0x99: {  	s4 =	simm.s32 $_scs_section_size  }
0x9a: {  	s5 =	simm.s32 $_size__tile_overlayer_lowered;
	s6 =	simm.s32 $_tile_overlayer_lowered  }
0x9b: {  	s22 =	simm.s32 $0x1BFF;
	s21 =	sshll.u32 s6, $0x1;
	s3 =	sadd.s32 s4, s19  }
0x9c: {  	s7 =	simm.s32 $0x0;
	s20 =	sshll.u32 s5, $0x1;
	s5 =	sadd.s32 s21, s3  }
0x9d: {  	[timem:s7], [sflag:s22] =	dma.local [hbm:s5], s20  }
0x9e: {  	_ =	swait.ge [sflag:s22], s20  }
0x9f: {  	s4 =	ssub.s32 $0x0, s20;
	[sflag:s22] =	ssyncset.done $0x0  }
0xa0: {  	[sflag:s22] =	ssyncadd.s32 s4;
	_ =	sdelay $0x1  }
0xa1: {  	s23 =	simm.s32 $0x1B8B  }
0xa2: {  	_ =	swait.ge [sflag:s23], $0x1  }
0xa3: {  	[sflag:s23] =	ssyncset.done $0x0  }
0xa4: {  	s25 =	simm.s32 $0x1B8E;
	s24 =	sld [smem:$0x3FFE];
	[sflag:s23] =	ssyncadd.s32 $0xFFFFFFFF  }
0xa5: {  	s26 =	simm.s32 $execute0_lowered;
	[smem:$0x3FD2] =	sst s25  }
0xa6: {  	s5 =	sshll.u32 s26, $0x1;
	_ =	strace $0x80000046;
	[dreg:$0x1] =	wrdreg $0xFFFFFFFF  }
0xa7: {  	s28 =	simm.s32 $_size_execute0_lowered;
	s3 =	sadd.s32 s3, s5;
	[dreg:$0x0] =	wrdreg $0x0  }
0xa8: {  	s5 =	sshll.u32 s28, $0x1;
	[dreg:$0x2] =	wrdreg s3  }
0xa9: {  	[dreg:$0x3] =	wrdreg s5  }
0xaa: {  	[dreg:$0x4] =	wrdreg $0xC0  }
0xab: {  	_ =	task [dreg:s7], $0x5FFFF  }
0xac: {  	[dreg:$0x1] =	wrdreg $0xFFFFFFFF  }
0xad: {  	[dreg:$0x0] =	wrdreg $0x60  }
0xae: {  	[dreg:$0x2] =	wrdreg s24  }
0xaf: {  	[dreg:$0x3] =	wrdreg s2  }
0xb0: {  	[dreg:$0x4] =	wrdreg $0x9  }
0xb1: {  	_ =	task.clear_ibuf [dreg:s7], $0x5FFFF;
	_ =	strace $0x90000046  }
0xb2: {  	s29 =	simm.s32 $0x9;
	_ =	strace $0x80000048  }
0xb3: {  	_ =	swait.ge [sflag:s29], $0x1  }
0xb4: {  	[sflag:s29] =	ssyncadd.s32 $0xFFFFFFFF  }
0xb5: {  	_ =	strace $0x90000048  }
0xb6: {  	_ =	sfence  }
0xb7: {  	s30 =	sld [smem:$0x0];
	_ =	sdelay $0x2  }
0xb8: {  	s31 =	sshll.u32 s1, $0xD;
	s1 =	sshrl.u32 s1, $0x2  }
0xb9: {  	s3 =	sand.u32 $0x4000, s31;
	s1 =	sadd.s32 s1, s30  }
0xba: {  	s0 =	sor.u32 s3, s0;
	s1 =	sshll.u32 s1, $0x11  }
0xbb: {  	s0 =	sor.u32 s1, s0  }
0xbc: {  	s0 =	sadd.s32 $0x8F2B, s0  }
0xbd: {  	[sflag:s0] =	ssyncadd.remote.s32 $0x1  }
0xbe: {  	_ =	sfence.sel $0xFFFF  }
0xbf: {  	[dreg:$0x0] =	wrdreg $0xFFFFFFFF;
	(pc) =	sbr.abs _section_cstart, $3  }
0xc0: {  	[dreg:$0x1] =	wrdreg $0xFFFFFFFF  }
0xc1: {  	_ =	task.clear_ibuf [dreg:s7], $0x2FFFF;
	_ =	strace $0x9FFFFFFF  }
0xc2: {  	(tm) =	ssettm $0x7FFFFFFF  }
0xc3: {  	_ =	shalt  }
tec
execute0_lowered:
.L_overlay_start_1:
0x0: {  	(tag) =	ssettag $0x1  }
0x1: {  	s0 =	srdreg.scid;
	s14 =	stileid.u32  }
0x2: {  	s0 =	sand.u32 $0x1, s0;
	s1 =	sshll.u32 s14, $0x1  }
0x3: {  	s1 =	sor.u32 s0, s1  }
0x4: {  	s5 =	smul.u32 $0x1A0, s1  }
0x5: {  	s3 =	rddreg [dreg:$0x0];
	s2 =	simm.s32 $0x0;
	s6 =	smul.u32 $0xD000, s1  }
0x6: {  	[smem:$0x7FF] =	sst s2;
	s1 =	smul.u32 $0x68000, s1  }
0x7: {  	s4 =	rddreg [dreg:$0x1];
	s7 =	sadd.s32 $0x600, s3;
	_ =	strace $0x80000047  }
0x8: {  	s4 =	sadd.s32 s4, s5;
	s28 =	sadd.s32 s7, s6;
	s1 =	sshrl.u32 s1, $0x3  }
0x9: {  	[dreg:$0x3] =	wrdreg s4;
	s15 =	sadd.s32 $0x800, s28;
	s1 =	sadd.s32 s7, s1  }
0xa: {  	[dreg:$0x4] =	wrdreg s15;
	s16 =	sadd.s32 $0x1000, s1  }
0xb: {  	s17 =	sadd.s32 $0x1800, s1;
	[dreg:$0x5] =	wrdreg s16  }
0xc: {  	s18 =	sadd.s32 $0x2000, s1;
	[dreg:$0x6] =	wrdreg s17  }
0xd: {  	s19 =	sadd.s32 $0x2800, s1;
	[dreg:$0x7] =	wrdreg s18  }
0xe: {  	s20 =	sadd.s32 $0x3000, s1;
	[dreg:$0x8] =	wrdreg s19  }
0xf: {  	s21 =	sadd.s32 $0x3800, s1;
	[dreg:$0x9] =	wrdreg s20  }
0x10: {  	s22 =	sadd.s32 $0x4000, s1;
	[dreg:$0xa] =	wrdreg s21  }
0x11: {  	s23 =	sadd.s32 $0x4800, s1;
	[dreg:$0xb] =	wrdreg s22  }
0x12: {  	s24 =	sadd.s32 $0x5000, s1;
	[dreg:$0xc] =	wrdreg s23  }
0x13: {  	s25 =	sadd.s32 $0x5800, s1;
	[dreg:$0xd] =	wrdreg s24  }
0x14: {  	s26 =	sadd.s32 $0x6000, s1;
	[dreg:$0xe] =	wrdreg s25  }
0x15: {  	s5 =	sadd.s32 $0x6800, s1;
	[dreg:$0xf] =	wrdreg s26  }
0x16: {  	s6 =	sadd.s32 $0x7000, s1;
	[dreg:$0x10] =	wrdreg s5  }
0x17: {  	s7 =	sadd.s32 $0x7800, s1;
	[dreg:$0x11] =	wrdreg s6  }
0x18: {  	s31 =	simm.s32 $0x580;
	s8 =	sadd.s32 $0x8000, s1;
	[dreg:$0x12] =	wrdreg s7  }
0x19: {  	s30 =	simm.s32 $0x600;
	s9 =	sadd.s32 $0x8800, s1;
	[dreg:$0x13] =	wrdreg s8  }
0x1a: {  	s29 =	simm.s32 $0x680;
	s10 =	sadd.s32 $0x9000, s1;
	[dreg:$0x14] =	wrdreg s9  }
0x1b: {  	p0 =	por $0x0, $0x0;
	s11 =	sadd.s32 $0x9800, s1;
	[dreg:$0x15] =	wrdreg s10  }
0x1c: {  	s0 =	ssub.s32 $0x2, s0;
	s12 =	sadd.s32 $0xA000, s1;
	[dreg:$0x16] =	wrdreg s11  }
0x1d: {  	s4 =	simm.s32 $0x4D00;
	s13 =	sadd.s32 $0xA800, s1;
	[dreg:$0x17] =	wrdreg s12  }
0x1e: {  	s15 =	sadd.s32 $0xB000, s1;
	s6 =	sadd.s32 $0xF42A00, s3;
	[dreg:$0x18] =	wrdreg s13  }
0x1f: {  	[dreg:$0x19] =	wrdreg s15;
	s16 =	sadd.s32 $0xB800, s1;
	s17 =	sshrl.u32 s0, $0x1  }
0x20: {  	s18 =	sadd.s32 $0xC000, s1;
	s1 =	sadd.s32 $0xC800, s1;
	s3 =	simm.s32 $0x5  }
0x21: {  	s10 =	simm.s32 $0x80;
	s5 =	simm.s32 $0xD00;
	[dreg:$0x1a] =	wrdreg s16  }
0x22: {  	s19 =	simm.s32 $0x100;
	s20 =	simm.s32 $0x180;
	[dreg:$0x1b] =	wrdreg s18  }
0x23: {  	s11 =	simm.s32 $0x8D00;
	s21 =	simm.s32 $0x200;
	[dreg:$0x1c] =	wrdreg s1  }
0x24: {  	s9 =	simm.s32 $0xCD00;
	s22 =	simm.s32 $0x280;
	[dreg:$0x1d] =	wrdreg s19  }
0x25: {  	s8 =	simm.s32 $0x1;
	s23 =	simm.s32 $0x300;
	[dreg:$0x1e] =	wrdreg s20  }
0x26: {  	s7 =	simm.s32 $0x2;
	s24 =	simm.s32 $0x380;
	[dreg:$0x1f] =	wrdreg s21  }
0x27: {  	s13 =	simm.s32 $0x3;
	s25 =	simm.s32 $0x400;
	[smem:$0x7F9] =	sst s22  }
0x28: {  	s12 =	simm.s32 $0x4;
	s0 =	ssub.s32 s0, s17;
	[smem:$0x7FA] =	sst s23  }
0x29: {  	s26 =	simm.s32 $0x480;
	[smem:$0x7FB] =	sst s24;
	s0 =	smax.u32 s0, $0x1  }
0x2a: {  	s15 =	simm.s32 $0xC80;
	[smem:$0x7FC] =	sst s25;
	p1 =	sne.s32 s0, $0x1  }
.Ltmp0:
0x2b: {  	[smem:$0x7FD] =	sst s26;
	s26 =	simm.s32 $0x700;
	(pc) =	sbr.rel @!p1 .LBB2_1-.Ltmp0, $4  }
0x2c: {  	s25 =	simm.s32 $0x780;
	s24 =	simm.s32 $0x800;
	s23 =	simm.s32 $0x880  }
0x2d: {  	s22 =	simm.s32 $0x900;
	s21 =	simm.s32 $0x980;
	s20 =	simm.s32 $0xA00  }
0x2e: {  	s19 =	simm.s32 $0xA80;
	s18 =	simm.s32 $0xB00;
	s17 =	simm.s32 $0xB80  }
0x2f: {  	s16 =	simm.s32 $0xC00;
	s1 =	sadd.s32 $0xFFFFFFFF, s0;
	s0 =	rddreg [dreg:$0x3]  }
0x30: {  	[tilespmem:s2], [sflag:$0x5] =	stream.linear.gather [hbm4b:s0+s2], $0xD00, $0x38;
	[tilespmem:$0x10D00] =	vst v63  }
0x31: {  	_ =	swait.ge [sflag:s3], $0xD00  }
0x32: {  	[sflag:s3] =	ssyncset.done $0x0  }
0x33: {  	[sflag:s3] =	ssyncadd.s32 $0xFFFFF300  }
0x34: {  	[tilespmem:s5], [sflag:$0x1] =	stream.indirect.gather [hbm4b:s6+s10], $0x80, s2, s10, $0xb8;
	[tilespmem:$0x10D00] =	vst v63  }
0x35: {  	_ = 	snop  }
0x36: {  	[tilespmem:s4], [sflag:$0x2] =	stream.indirect.gather [hbm4b:s6+s10], $0x80, s10, s10, $0xb8;
	[tilespmem:$0x10D00] =	vst v63  }
0x37: {  	s0 =	rddreg [dreg:$0x1d]  }
0x38: {  	[tilespmem:s11], [sflag:$0x3] =	stream.indirect.gather [hbm4b:s6+s10], $0x80, s0, s10, $0xb8;
	[tilespmem:$0x10D00] =	vst v63  }
0x39: {  	s14 =	smov.u32 s1;
	s1 =	rddreg [dreg:$0x1e]  }
0x3a: {  	[tilespmem:s9], [sflag:$0x4] =	stream.indirect.gather [hbm4b:s6+s10], $0x80, s1, s10, $0xb8;
	[tilespmem:$0x10D00] =	vst v63  }
0x3b: {  	_ =	swait.ge [sflag:s8], $0x4000  }
0x3c: {  	[sflag:s8] =	ssyncset.done $0x0  }
0x3d: {  	[sflag:s8] =	ssyncadd.s32 $0xFFFFC000  }
0x3e: {  	[hbm4b:s28+s2] =	stream.linear.scatter [tilespmem:s5], [sflag:$0x5], $0x4000, $0x38;
	[tilespmem:$0x10D00] =	vst v63  }
0x3f: {  	_ =	swait.ge [sflag:s3], $0x4000  }
0x40: {  	[sflag:s3] =	ssyncset.done $0x0  }
0x41: {  	s1 =	rddreg [dreg:$0x1f];
	[sflag:s3] =	ssyncadd.s32 $0xFFFFC000  }
0x42: {  	[tilespmem:s5], [sflag:$0x1] =	stream.indirect.gather [hbm4b:s6+s10], $0x80, s1, s10, $0xb8;
	[tilespmem:$0x10D00] =	vst v63  }
0x43: {  	_ =	swait.ge [sflag:s7], $0x4000  }
0x44: {  	[sflag:s7] =	ssyncset.done $0x0  }
0x45: {  	s1 =	rddreg [dreg:$0x4];
	[sflag:s7] =	ssyncadd.s32 $0xFFFFC000  }
0x46: {  	[hbm4b:s1+s2] =	stream.linear.scatter [tilespmem:s4], [sflag:$0x5], $0x4000, $0x38;
	[tilespmem:$0x10D00] =	vst v63  }
0x47: {  	_ =	swait.ge [sflag:s3], $0x4000  }
0x48: {  	s1 =	sld [smem:$0x7F9]  }
0x49: {  	[sflag:s3] =	ssyncset.done $0x0  }
0x4a: {  	[sflag:s3] =	ssyncadd.s32 $0xFFFFC000  }
0x4b: {  	[tilespmem:s4], [sflag:$0x2] =	stream.indirect.gather [hbm4b:s6+s10], $0x80, s1, s10, $0xb8;
	[tilespmem:$0x10D00] =	vst v63  }
0x4c: {  	_ =	swait.ge [sflag:s13], $0x4000  }
0x4d: {  	[sflag:s13] =	ssyncset.done $0x0  }
0x4e: {  	s1 =	rddreg [dreg:$0x5];
	[sflag:s13] =	ssyncadd.s32 $0xFFFFC000  }
0x4f: {  	[hbm4b:s1+s2] =	stream.linear.scatter [tilespmem:s11], [sflag:$0x5], $0x4000, $0x38;
	[tilespmem:$0x10D00] =	vst v63  }
0x50: {  	_ =	swait.ge [sflag:s3], $0x4000  }
0x51: {  	s1 =	sld [smem:$0x7FA]  }
0x52: {  	[sflag:s3] =	ssyncset.done $0x0  }
0x53: {  	[sflag:s3] =	ssyncadd.s32 $0xFFFFC000  }
0x54: {  	[tilespmem:s11], [sflag:$0x3] =	stream.indirect.gather [hbm4b:s6+s10], $0x80, s1, s10, $0xb8;
	[tilespmem:$0x10D00] =	vst v63  }
0x55: {  	_ =	swait.ge [sflag:s12], $0x4000  }
0x56: {  	[sflag:s12] =	ssyncset.done $0x0  }
0x57: {  	s1 =	rddreg [dreg:$0x6];
	[sflag:s12] =	ssyncadd.s32 $0xFFFFC000  }
0x58: {  	[hbm4b:s1+s2] =	stream.linear.scatter [tilespmem:s9], [sflag:$0x5], $0x4000, $0x38;
	[tilespmem:$0x10D00] =	vst v63  }
0x59: {  	_ =	swait.ge [sflag:s3], $0x4000  }
0x5a: {  	s1 =	sld [smem:$0x7FB]  }
0x5b: {  	[sflag:s3] =	ssyncset.done $0x0  }
0x5c: {  	[sflag:s3] =	ssyncadd.s32 $0xFFFFC000  }
0x5d: {  	[tilespmem:s9], [sflag:$0x4] =	stream.indirect.gather [hbm4b:s6+s10], $0x80, s1, s10, $0xb8;
	[tilespmem:$0x10D00] =	vst v63  }
0x5e: {  	_ =	swait.ge [sflag:s8], $0x4000  }
0x5f: {  	[sflag:s8] =	ssyncset.done $0x0  }
0x60: {  	s1 =	rddreg [dreg:$0x7];
	[sflag:s8] =	ssyncadd.s32 $0xFFFFC000  }
0x61: {  	[hbm4b:s1+s2] =	stream.linear.scatter [tilespmem:s5], [sflag:$0x5], $0x4000, $0x38;
	[tilespmem:$0x10D00] =	vst v63  }
0x62: {  	_ =	swait.ge [sflag:s3], $0x4000  }
0x63: {  	s1 =	sld [smem:$0x7FC]  }
0x64: {  	[sflag:s3] =	ssyncset.done $0x0  }
0x65: {  	[sflag:s3] =	ssyncadd.s32 $0xFFFFC000  }
0x66: {  	[tilespmem:s5], [sflag:$0x1] =	stream.indirect.gather [hbm4b:s6+s10], $0x80, s1, s10, $0xb8;
	[tilespmem:$0x10D00] =	vst v63  }
0x67: {  	_ =	swait.ge [sflag:s7], $0x4000  }
0x68: {  	[sflag:s7] =	ssyncset.done $0x0  }
0x69: {  	s1 =	rddreg [dreg:$0x8];
	[sflag:s7] =	ssyncadd.s32 $0xFFFFC000  }
0x6a: {  	[hbm4b:s1+s2] =	stream.linear.scatter [tilespmem:s4], [sflag:$0x5], $0x4000, $0x38;
	[tilespmem:$0x10D00] =	vst v63  }
0x6b: {  	_ =	swait.ge [sflag:s3], $0x4000  }
0x6c: {  	s1 =	sld [smem:$0x7FD]  }
0x6d: {  	[sflag:s3] =	ssyncset.done $0x0  }
0x6e: {  	[sflag:s3] =	ssyncadd.s32 $0xFFFFC000  }
0x6f: {  	[tilespmem:s4], [sflag:$0x2] =	stream.indirect.gather [hbm4b:s6+s10], $0x80, s1, s10, $0xb8;
	[tilespmem:$0x10D00] =	vst v63  }
0x70: {  	_ =	swait.ge [sflag:s13], $0x4000  }
0x71: {  	[sflag:s13] =	ssyncset.done $0x0  }
0x72: {  	s1 =	rddreg [dreg:$0x9];
	[sflag:s13] =	ssyncadd.s32 $0xFFFFC000  }
0x73: {  	[hbm4b:s1+s2] =	stream.linear.scatter [tilespmem:s11], [sflag:$0x5], $0x4000, $0x38;
	[tilespmem:$0x10D00] =	vst v63  }
0x74: {  	_ =	swait.ge [sflag:s3], $0x4000  }
0x75: {  	[sflag:s3] =	ssyncset.done $0x0  }
0x76: {  	s1 =	simm.s32 $0x500;
	[sflag:s3] =	ssyncadd.s32 $0xFFFFC000  }
0x77: {  	[tilespmem:s11], [sflag:$0x3] =	stream.indirect.gather [hbm4b:s6+s10], $0x80, s1, s10, $0xb8;
	[tilespmem:$0x10D00] =	vst v63  }
0x78: {  	_ =	swait.ge [sflag:s12], $0x4000  }
0x79: {  	[sflag:s12] =	ssyncset.done $0x0  }
0x7a: {  	s1 =	rddreg [dreg:$0xa];
	[sflag:s12] =	ssyncadd.s32 $0xFFFFC000  }
0x7b: {  	[hbm4b:s1+s2] =	stream.linear.scatter [tilespmem:s9], [sflag:$0x5], $0x4000, $0x38;
	[tilespmem:$0x10D00] =	vst v63  }
0x7c: {  	_ =	swait.ge [sflag:s3], $0x4000  }
0x7d: {  	[sflag:s3] =	ssyncset.done $0x0  }
0x7e: {  	[sflag:s3] =	ssyncadd.s32 $0xFFFFC000  }
0x7f: {  	[tilespmem:s9], [sflag:$0x4] =	stream.indirect.gather [hbm4b:s6+s10], $0x80, s31, s10, $0xb8;
	[tilespmem:$0x10D00] =	vst v63  }
0x80: {  	_ =	swait.ge [sflag:s8], $0x4000  }
0x81: {  	[sflag:s8] =	ssyncset.done $0x0  }
0x82: {  	s1 =	rddreg [dreg:$0xb];
	[sflag:s8] =	ssyncadd.s32 $0xFFFFC000  }
0x83: {  	[hbm4b:s1+s2] =	stream.linear.scatter [tilespmem:s5], [sflag:$0x5], $0x4000, $0x38;
	[tilespmem:$0x10D00] =	vst v63  }
0x84: {  	_ =	swait.ge [sflag:s3], $0x4000  }
0x85: {  	[sflag:s3] =	ssyncset.done $0x0  }
0x86: {  	[sflag:s3] =	ssyncadd.s32 $0xFFFFC000  }
0x87: {  	[tilespmem:s5], [sflag:$0x1] =	stream.indirect.gather [hbm4b:s6+s10], $0x80, s30, s10, $0xb8;
	[tilespmem:$0x10D00] =	vst v63  }
0x88: {  	_ =	swait.ge [sflag:s7], $0x4000  }
0x89: {  	[sflag:s7] =	ssyncset.done $0x0  }
0x8a: {  	s1 =	rddreg [dreg:$0xc];
	[sflag:s7] =	ssyncadd.s32 $0xFFFFC000  }
0x8b: {  	[hbm4b:s1+s2] =	stream.linear.scatter [tilespmem:s4], [sflag:$0x5], $0x4000, $0x38;
	[tilespmem:$0x10D00] =	vst v63  }
0x8c: {  	_ =	swait.ge [sflag:s3], $0x4000  }
0x8d: {  	[sflag:s3] =	ssyncset.done $0x0  }
0x8e: {  	[sflag:s3] =	ssyncadd.s32 $0xFFFFC000  }
0x8f: {  	[tilespmem:s4], [sflag:$0x2] =	stream.indirect.gather [hbm4b:s6+s10], $0x80, s29, s10, $0xb8;
	[tilespmem:$0x10D00] =	vst v63  }
0x90: {  	_ =	swait.ge [sflag:s13], $0x4000  }
0x91: {  	[sflag:s13] =	ssyncset.done $0x0  }
0x92: {  	s1 =	rddreg [dreg:$0xd];
	[sflag:s13] =	ssyncadd.s32 $0xFFFFC000  }
0x93: {  	[hbm4b:s1+s2] =	stream.linear.scatter [tilespmem:s11], [sflag:$0x5], $0x4000, $0x38;
	[tilespmem:$0x10D00] =	vst v63  }
0x94: {  	_ =	swait.ge [sflag:s3], $0x4000  }
0x95: {  	[sflag:s3] =	ssyncset.done $0x0  }
0x96: {  	[sflag:s3] =	ssyncadd.s32 $0xFFFFC000  }
0x97: {  	[tilespmem:s11], [sflag:$0x3] =	stream.indirect.gather [hbm4b:s6+s10], $0x80, s26, s10, $0xb8;
	[tilespmem:$0x10D00] =	vst v63  }
0x98: {  	_ =	swait.ge [sflag:s12], $0x4000  }
0x99: {  	[sflag:s12] =	ssyncset.done $0x0  }
0x9a: {  	s1 =	rddreg [dreg:$0xe];
	[sflag:s12] =	ssyncadd.s32 $0xFFFFC000  }
0x9b: {  	[hbm4b:s1+s2] =	stream.linear.scatter [tilespmem:s9], [sflag:$0x5], $0x4000, $0x38;
	[tilespmem:$0x10D00] =	vst v63  }
0x9c: {  	_ =	swait.ge [sflag:s3], $0x4000  }
0x9d: {  	[sflag:s3] =	ssyncset.done $0x0  }
0x9e: {  	[sflag:s3] =	ssyncadd.s32 $0xFFFFC000  }
0x9f: {  	[tilespmem:s9], [sflag:$0x4] =	stream.indirect.gather [hbm4b:s6+s10], $0x80, s25, s10, $0xb8;
	[tilespmem:$0x10D00] =	vst v63  }
0xa0: {  	_ =	swait.ge [sflag:s8], $0x4000  }
0xa1: {  	[sflag:s8] =	ssyncset.done $0x0  }
0xa2: {  	s1 =	rddreg [dreg:$0xf];
	[sflag:s8] =	ssyncadd.s32 $0xFFFFC000  }
0xa3: {  	[hbm4b:s1+s2] =	stream.linear.scatter [tilespmem:s5], [sflag:$0x5], $0x4000, $0x38;
	[tilespmem:$0x10D00] =	vst v63  }
0xa4: {  	_ =	swait.ge [sflag:s3], $0x4000  }
0xa5: {  	[sflag:s3] =	ssyncset.done $0x0  }
0xa6: {  	[sflag:s3] =	ssyncadd.s32 $0xFFFFC000  }
0xa7: {  	[tilespmem:s5], [sflag:$0x1] =	stream.indirect.gather [hbm4b:s6+s10], $0x80, s24, s10, $0xb8;
	[tilespmem:$0x10D00] =	vst v63  }
0xa8: {  	_ =	swait.ge [sflag:s7], $0x4000  }
0xa9: {  	[sflag:s7] =	ssyncset.done $0x0  }
0xaa: {  	s1 =	rddreg [dreg:$0x10];
	[sflag:s7] =	ssyncadd.s32 $0xFFFFC000  }
0xab: {  	[hbm4b:s1+s2] =	stream.linear.scatter [tilespmem:s4], [sflag:$0x5], $0x4000, $0x38;
	[tilespmem:$0x10D00] =	vst v63  }
0xac: {  	_ =	swait.ge [sflag:s3], $0x4000  }
0xad: {  	[sflag:s3] =	ssyncset.done $0x0  }
0xae: {  	[sflag:s3] =	ssyncadd.s32 $0xFFFFC000  }
0xaf: {  	[tilespmem:s4], [sflag:$0x2] =	stream.indirect.gather [hbm4b:s6+s10], $0x80, s23, s10, $0xb8;
	[tilespmem:$0x10D00] =	vst v63  }
0xb0: {  	_ =	swait.ge [sflag:s13], $0x4000  }
0xb1: {  	[sflag:s13] =	ssyncset.done $0x0  }
0xb2: {  	s1 =	rddreg [dreg:$0x11];
	[sflag:s13] =	ssyncadd.s32 $0xFFFFC000  }
0xb3: {  	[hbm4b:s1+s2] =	stream.linear.scatter [tilespmem:s11], [sflag:$0x5], $0x4000, $0x38;
	[tilespmem:$0x10D00] =	vst v63  }
0xb4: {  	_ =	swait.ge [sflag:s3], $0x4000  }
0xb5: {  	[sflag:s3] =	ssyncset.done $0x0  }
0xb6: {  	[sflag:s3] =	ssyncadd.s32 $0xFFFFC000  }
0xb7: {  	[tilespmem:s11], [sflag:$0x3] =	stream.indirect.gather [hbm4b:s6+s10], $0x80, s22, s10, $0xb8;
	[tilespmem:$0x10D00] =	vst v63  }
0xb8: {  	_ =	swait.ge [sflag:s12], $0x4000  }
0xb9: {  	[sflag:s12] =	ssyncset.done $0x0  }
0xba: {  	s1 =	rddreg [dreg:$0x12];
	[sflag:s12] =	ssyncadd.s32 $0xFFFFC000  }
0xbb: {  	[hbm4b:s1+s2] =	stream.linear.scatter [tilespmem:s9], [sflag:$0x5], $0x4000, $0x38;
	[tilespmem:$0x10D00] =	vst v63  }
0xbc: {  	_ =	swait.ge [sflag:s3], $0x4000  }
0xbd: {  	[sflag:s3] =	ssyncset.done $0x0  }
0xbe: {  	[sflag:s3] =	ssyncadd.s32 $0xFFFFC000  }
0xbf: {  	[tilespmem:s9], [sflag:$0x4] =	stream.indirect.gather [hbm4b:s6+s10], $0x80, s21, s10, $0xb8;
	[tilespmem:$0x10D00] =	vst v63  }
0xc0: {  	_ =	swait.ge [sflag:s8], $0x4000  }
0xc1: {  	[sflag:s8] =	ssyncset.done $0x0  }
0xc2: {  	s1 =	rddreg [dreg:$0x13];
	[sflag:s8] =	ssyncadd.s32 $0xFFFFC000  }
0xc3: {  	[hbm4b:s1+s2] =	stream.linear.scatter [tilespmem:s5], [sflag:$0x5], $0x4000, $0x38;
	[tilespmem:$0x10D00] =	vst v63  }
0xc4: {  	_ =	swait.ge [sflag:s3], $0x4000  }
0xc5: {  	[sflag:s3] =	ssyncset.done $0x0  }
0xc6: {  	[sflag:s3] =	ssyncadd.s32 $0xFFFFC000  }
0xc7: {  	[tilespmem:s5], [sflag:$0x1] =	stream.indirect.gather [hbm4b:s6+s10], $0x80, s20, s10, $0xb8;
	[tilespmem:$0x10D00] =	vst v63  }
0xc8: {  	_ =	swait.ge [sflag:s7], $0x4000  }
0xc9: {  	[sflag:s7] =	ssyncset.done $0x0  }
0xca: {  	s1 =	rddreg [dreg:$0x14];
	[sflag:s7] =	ssyncadd.s32 $0xFFFFC000  }
0xcb: {  	[hbm4b:s1+s2] =	stream.linear.scatter [tilespmem:s4], [sflag:$0x5], $0x4000, $0x38;
	[tilespmem:$0x10D00] =	vst v63  }
0xcc: {  	_ =	swait.ge [sflag:s3], $0x4000  }
0xcd: {  	[sflag:s3] =	ssyncset.done $0x0  }
0xce: {  	[sflag:s3] =	ssyncadd.s32 $0xFFFFC000  }
0xcf: {  	[tilespmem:s4], [sflag:$0x2] =	stream.indirect.gather [hbm4b:s6+s10], $0x80, s19, s10, $0xb8;
	[tilespmem:$0x10D00] =	vst v63  }
0xd0: {  	_ =	swait.ge [sflag:s13], $0x4000  }
0xd1: {  	[sflag:s13] =	ssyncset.done $0x0  }
0xd2: {  	s1 =	rddreg [dreg:$0x15];
	[sflag:s13] =	ssyncadd.s32 $0xFFFFC000  }
0xd3: {  	[hbm4b:s1+s2] =	stream.linear.scatter [tilespmem:s11], [sflag:$0x5], $0x4000, $0x38;
	[tilespmem:$0x10D00] =	vst v63  }
0xd4: {  	_ =	swait.ge [sflag:s3], $0x4000  }
0xd5: {  	[sflag:s3] =	ssyncset.done $0x0  }
0xd6: {  	[sflag:s3] =	ssyncadd.s32 $0xFFFFC000  }
0xd7: {  	[tilespmem:s11], [sflag:$0x3] =	stream.indirect.gather [hbm4b:s6+s10], $0x80, s18, s10, $0xb8;
	[tilespmem:$0x10D00] =	vst v63  }
0xd8: {  	_ =	swait.ge [sflag:s12], $0x4000  }
0xd9: {  	[sflag:s12] =	ssyncset.done $0x0  }
0xda: {  	s1 =	rddreg [dreg:$0x16];
	[sflag:s12] =	ssyncadd.s32 $0xFFFFC000  }
0xdb: {  	[hbm4b:s1+s2] =	stream.linear.scatter [tilespmem:s9], [sflag:$0x5], $0x4000, $0x38;
	[tilespmem:$0x10D00] =	vst v63  }
0xdc: {  	_ =	swait.ge [sflag:s3], $0x4000  }
0xdd: {  	[sflag:s3] =	ssyncset.done $0x0  }
0xde: {  	[sflag:s3] =	ssyncadd.s32 $0xFFFFC000  }
0xdf: {  	[tilespmem:s9], [sflag:$0x4] =	stream.indirect.gather [hbm4b:s6+s10], $0x80, s17, s10, $0xb8;
	[tilespmem:$0x10D00] =	vst v63  }
0xe0: {  	_ =	swait.ge [sflag:s8], $0x4000  }
0xe1: {  	[sflag:s8] =	ssyncset.done $0x0  }
0xe2: {  	s1 =	rddreg [dreg:$0x17];
	[sflag:s8] =	ssyncadd.s32 $0xFFFFC000  }
0xe3: {  	[hbm4b:s1+s2] =	stream.linear.scatter [tilespmem:s5], [sflag:$0x5], $0x4000, $0x38;
	[tilespmem:$0x10D00] =	vst v63  }
0xe4: {  	_ =	swait.ge [sflag:s3], $0x4000  }
0xe5: {  	[sflag:s3] =	ssyncset.done $0x0  }
0xe6: {  	[sflag:s3] =	ssyncadd.s32 $0xFFFFC000  }
0xe7: {  	[tilespmem:s5], [sflag:$0x1] =	stream.indirect.gather [hbm4b:s6+s10], $0x80, s16, s10, $0xb8;
	[tilespmem:$0x10D00] =	vst v63  }
0xe8: {  	_ =	swait.ge [sflag:s7], $0x4000  }
0xe9: {  	[sflag:s7] =	ssyncset.done $0x0  }
0xea: {  	s1 =	rddreg [dreg:$0x18];
	[sflag:s7] =	ssyncadd.s32 $0xFFFFC000  }
0xeb: {  	[hbm4b:s1+s2] =	stream.linear.scatter [tilespmem:s4], [sflag:$0x5], $0x4000, $0x38;
	[tilespmem:$0x10D00] =	vst v63  }
0xec: {  	_ =	swait.ge [sflag:s3], $0x4000  }
0xed: {  	[sflag:s3] =	ssyncset.done $0x0  }
0xee: {  	[sflag:s3] =	ssyncadd.s32 $0xFFFFC000  }
0xef: {  	[tilespmem:s4], [sflag:$0x2] =	stream.indirect.gather [hbm4b:s6+s10], $0x80, s15, s10, $0xb8;
	[tilespmem:$0x10D00] =	vst v63  }
0xf0: {  	_ =	swait.ge [sflag:s13], $0x4000  }
0xf1: {  	[sflag:s13] =	ssyncset.done $0x0  }
0xf2: {  	s1 =	rddreg [dreg:$0x19];
	[sflag:s13] =	ssyncadd.s32 $0xFFFFC000  }
0xf3: {  	[hbm4b:s1+s2] =	stream.linear.scatter [tilespmem:s11], [sflag:$0x5], $0x4000, $0x38;
	[tilespmem:$0x10D00] =	vst v63  }
0xf4: {  	_ =	swait.ge [sflag:s3], $0x4000  }
0xf5: {  	[sflag:s3] =	ssyncset.done $0x0  }
0xf6: {  	[sflag:s3] =	ssyncadd.s32 $0xFFFFC000  }
0xf7: {  	_ =	swait.ge [sflag:s12], $0x4000  }
0xf8: {  	[sflag:s12] =	ssyncset.done $0x0  }
0xf9: {  	s1 =	rddreg [dreg:$0x1a];
	[sflag:s12] =	ssyncadd.s32 $0xFFFFC000  }
0xfa: {  	[hbm4b:s1+s2] =	stream.linear.scatter [tilespmem:s9], [sflag:$0x5], $0x4000, $0x38;
	[tilespmem:$0x10D00] =	vst v63  }
0xfb: {  	_ =	swait.ge [sflag:s3], $0x4000  }
0xfc: {  	[sflag:s3] =	ssyncset.done $0x0  }
0xfd: {  	[sflag:s3] =	ssyncadd.s32 $0xFFFFC000  }
0xfe: {  	_ =	swait.ge [sflag:s8], $0x4000  }
0xff: {  	[sflag:s8] =	ssyncset.done $0x0  }
0x100: {  	s1 =	rddreg [dreg:$0x1b];
	[sflag:s8] =	ssyncadd.s32 $0xFFFFC000  }
0x101: {  	[hbm4b:s1+s2] =	stream.linear.scatter [tilespmem:s5], [sflag:$0x5], $0x4000, $0x38;
	[tilespmem:$0x10D00] =	vst v63  }
0x102: {  	_ =	swait.ge [sflag:s3], $0x4000  }
0x103: {  	[sflag:s3] =	ssyncset.done $0x0  }
0x104: {  	[sflag:s3] =	ssyncadd.s32 $0xFFFFC000  }
0x105: {  	p1 =	sne.s32 s14, $0x1;
	_ =	swait.ge [sflag:s7], $0x4000  }
.Ltmp1:
0x106: {  	[sflag:s7] =	ssyncset.done $0x0;
	(pc) =	sbr.rel @!p1 .LBB2_3-.Ltmp1, $4  }
0x107: {  	s1 =	rddreg [dreg:$0x1c];
	[sflag:s7] =	ssyncadd.s32 $0xFFFFC000  }
0x108: {  	[hbm4b:s1+s2] =	stream.linear.scatter [tilespmem:s4], [sflag:$0x5], $0x4000, $0x38;
	[tilespmem:$0x10D00] =	vst v63  }
0x109: {  	p0 =	por $0x1, $0x1;
	_ =	swait.ge [sflag:s3], $0x4000  }
0x10a: {  	s1 =	sadd.s32 $0xFFFFFFFF, s14;
	s0 =	rddreg [dreg:$0x3];
	[sflag:s3] =	ssyncset.done $0x0  }
.LBB2_4:
0x10b: {  	[sflag:s3] =	ssyncadd.s32 $0xFFFFC000  }
0x10c: {  	[tilespmem:s2], [sflag:$0x5] =	stream.linear.gather [hbm4b:s0+s2], $0xD00, $0x38;
	[tilespmem:$0x10D00] =	vst v63  }
0x10d: {  	_ =	swait.ge [sflag:s3], $0xD00  }
0x10e: {  	[sflag:s3] =	ssyncset.done $0x0  }
0x10f: {  	[sflag:s3] =	ssyncadd.s32 $0xFFFFF300  }
0x110: {  	[tilespmem:s5], [sflag:$0x1] =	stream.indirect.gather [hbm4b:s6+s10], $0x80, s2, s10, $0xb8;
	[tilespmem:$0x10D00] =	vst v63  }
0x111: {  	_ = 	snop  }
0x112: {  	[tilespmem:s4], [sflag:$0x2] =	stream.indirect.gather [hbm4b:s6+s10], $0x80, s10, s10, $0xb8;
	[tilespmem:$0x10D00] =	vst v63  }
0x113: {  	s0 =	rddreg [dreg:$0x1d]  }
0x114: {  	[tilespmem:s11], [sflag:$0x3] =	stream.indirect.gather [hbm4b:s6+s10], $0x80, s0, s10, $0xb8;
	[tilespmem:$0x10D00] =	vst v63  }
0x115: {  	s14 =	rddreg [dreg:$0x1e]  }
0x116: {  	[tilespmem:s9], [sflag:$0x4] =	stream.indirect.gather [hbm4b:s6+s10], $0x80, s14, s10, $0xb8;
	[tilespmem:$0x10D00] =	vst v63  }
0x117: {  	_ =	swait.ge [sflag:s8], $0x4000  }
0x118: {  	[sflag:s8] =	ssyncset.done $0x0  }
0x119: {  	[sflag:s8] =	ssyncadd.s32 $0xFFFFC000  }
0x11a: {  	[hbm4b:s28+s2] =	stream.linear.scatter [tilespmem:s5], [sflag:$0x5], $0x4000, $0x38;
	[tilespmem:$0x10D00] =	vst v63  }
0x11b: {  	_ =	swait.ge [sflag:s3], $0x4000  }
0x11c: {  	[sflag:s3] =	ssyncset.done $0x0  }
0x11d: {  	s14 =	rddreg [dreg:$0x1f];
	[sflag:s3] =	ssyncadd.s32 $0xFFFFC000  }
0x11e: {  	[tilespmem:s5], [sflag:$0x1] =	stream.indirect.gather [hbm4b:s6+s10], $0x80, s14, s10, $0xb8;
	[tilespmem:$0x10D00] =	vst v63  }
0x11f: {  	_ =	swait.ge [sflag:s7], $0x4000  }
0x120: {  	[sflag:s7] =	ssyncset.done $0x0  }
0x121: {  	s14 =	rddreg [dreg:$0x4];
	[sflag:s7] =	ssyncadd.s32 $0xFFFFC000  }
0x122: {  	[hbm4b:s14+s2] =	stream.linear.scatter [tilespmem:s4], [sflag:$0x5], $0x4000, $0x38;
	[tilespmem:$0x10D00] =	vst v63  }
0x123: {  	_ =	swait.ge [sflag:s3], $0x4000  }
0x124: {  	s14 =	sld [smem:$0x7F9]  }
0x125: {  	[sflag:s3] =	ssyncset.done $0x0  }
0x126: {  	[sflag:s3] =	ssyncadd.s32 $0xFFFFC000  }
0x127: {  	[tilespmem:s4], [sflag:$0x2] =	stream.indirect.gather [hbm4b:s6+s10], $0x80, s14, s10, $0xb8;
	[tilespmem:$0x10D00] =	vst v63  }
0x128: {  	_ =	swait.ge [sflag:s13], $0x4000  }
0x129: {  	[sflag:s13] =	ssyncset.done $0x0  }
0x12a: {  	s14 =	rddreg [dreg:$0x5];
	[sflag:s13] =	ssyncadd.s32 $0xFFFFC000  }
0x12b: {  	[hbm4b:s14+s2] =	stream.linear.scatter [tilespmem:s11], [sflag:$0x5], $0x4000, $0x38;
	[tilespmem:$0x10D00] =	vst v63  }
0x12c: {  	_ =	swait.ge [sflag:s3], $0x4000  }
0x12d: {  	s14 =	sld [smem:$0x7FA]  }
0x12e: {  	[sflag:s3] =	ssyncset.done $0x0  }
0x12f: {  	[sflag:s3] =	ssyncadd.s32 $0xFFFFC000  }
0x130: {  	[tilespmem:s11], [sflag:$0x3] =	stream.indirect.gather [hbm4b:s6+s10], $0x80, s14, s10, $0xb8;
	[tilespmem:$0x10D00] =	vst v63  }
0x131: {  	_ =	swait.ge [sflag:s12], $0x4000  }
0x132: {  	[sflag:s12] =	ssyncset.done $0x0  }
0x133: {  	s14 =	rddreg [dreg:$0x6];
	[sflag:s12] =	ssyncadd.s32 $0xFFFFC000  }
0x134: {  	[hbm4b:s14+s2] =	stream.linear.scatter [tilespmem:s9], [sflag:$0x5], $0x4000, $0x38;
	[tilespmem:$0x10D00] =	vst v63  }
0x135: {  	_ =	swait.ge [sflag:s3], $0x4000  }
0x136: {  	s14 =	sld [smem:$0x7FB]  }
0x137: {  	[sflag:s3] =	ssyncset.done $0x0  }
0x138: {  	[sflag:s3] =	ssyncadd.s32 $0xFFFFC000  }
0x139: {  	[tilespmem:s9], [sflag:$0x4] =	stream.indirect.gather [hbm4b:s6+s10], $0x80, s14, s10, $0xb8;
	[tilespmem:$0x10D00] =	vst v63  }
0x13a: {  	_ =	swait.ge [sflag:s8], $0x4000  }
0x13b: {  	[sflag:s8] =	ssyncset.done $0x0  }
0x13c: {  	s14 =	rddreg [dreg:$0x7];
	[sflag:s8] =	ssyncadd.s32 $0xFFFFC000  }
0x13d: {  	[hbm4b:s14+s2] =	stream.linear.scatter [tilespmem:s5], [sflag:$0x5], $0x4000, $0x38;
	[tilespmem:$0x10D00] =	vst v63  }
0x13e: {  	_ =	swait.ge [sflag:s3], $0x4000  }
0x13f: {  	s14 =	sld [smem:$0x7FC]  }
0x140: {  	[sflag:s3] =	ssyncset.done $0x0  }
0x141: {  	[sflag:s3] =	ssyncadd.s32 $0xFFFFC000  }
0x142: {  	[tilespmem:s5], [sflag:$0x1] =	stream.indirect.gather [hbm4b:s6+s10], $0x80, s14, s10, $0xb8;
	[tilespmem:$0x10D00] =	vst v63  }
0x143: {  	_ =	swait.ge [sflag:s7], $0x4000  }
0x144: {  	[sflag:s7] =	ssyncset.done $0x0  }
0x145: {  	s14 =	rddreg [dreg:$0x8];
	[sflag:s7] =	ssyncadd.s32 $0xFFFFC000  }
0x146: {  	[hbm4b:s14+s2] =	stream.linear.scatter [tilespmem:s4], [sflag:$0x5], $0x4000, $0x38;
	[tilespmem:$0x10D00] =	vst v63  }
0x147: {  	_ =	swait.ge [sflag:s3], $0x4000  }
0x148: {  	s14 =	sld [smem:$0x7FD]  }
0x149: {  	[sflag:s3] =	ssyncset.done $0x0  }
0x14a: {  	[sflag:s3] =	ssyncadd.s32 $0xFFFFC000  }
0x14b: {  	[tilespmem:s4], [sflag:$0x2] =	stream.indirect.gather [hbm4b:s6+s10], $0x80, s14, s10, $0xb8;
	[tilespmem:$0x10D00] =	vst v63  }
0x14c: {  	_ =	swait.ge [sflag:s13], $0x4000  }
0x14d: {  	[sflag:s13] =	ssyncset.done $0x0  }
0x14e: {  	s14 =	rddreg [dreg:$0x9];
	[sflag:s13] =	ssyncadd.s32 $0xFFFFC000  }
0x14f: {  	[hbm4b:s14+s2] =	stream.linear.scatter [tilespmem:s11], [sflag:$0x5], $0x4000, $0x38;
	[tilespmem:$0x10D00] =	vst v63  }
0x150: {  	_ =	swait.ge [sflag:s3], $0x4000  }
0x151: {  	[sflag:s3] =	ssyncset.done $0x0  }
0x152: {  	s14 =	simm.s32 $0x500;
	[sflag:s3] =	ssyncadd.s32 $0xFFFFC000  }
0x153: {  	[tilespmem:s11], [sflag:$0x3] =	stream.indirect.gather [hbm4b:s6+s10], $0x80, s14, s10, $0xb8;
	[tilespmem:$0x10D00] =	vst v63  }
0x154: {  	_ =	swait.ge [sflag:s12], $0x4000  }
0x155: {  	[sflag:s12] =	ssyncset.done $0x0  }
0x156: {  	s14 =	rddreg [dreg:$0xa];
	[sflag:s12] =	ssyncadd.s32 $0xFFFFC000  }
0x157: {  	[hbm4b:s14+s2] =	stream.linear.scatter [tilespmem:s9], [sflag:$0x5], $0x4000, $0x38;
	[tilespmem:$0x10D00] =	vst v63  }
0x158: {  	_ =	swait.ge [sflag:s3], $0x4000  }
0x159: {  	[sflag:s3] =	ssyncset.done $0x0  }
0x15a: {  	[sflag:s3] =	ssyncadd.s32 $0xFFFFC000  }
0x15b: {  	[tilespmem:s9], [sflag:$0x4] =	stream.indirect.gather [hbm4b:s6+s10], $0x80, s31, s10, $0xb8;
	[tilespmem:$0x10D00] =	vst v63  }
0x15c: {  	_ =	swait.ge [sflag:s8], $0x4000  }
0x15d: {  	[sflag:s8] =	ssyncset.done $0x0  }
0x15e: {  	s14 =	rddreg [dreg:$0xb];
	[sflag:s8] =	ssyncadd.s32 $0xFFFFC000  }
0x15f: {  	[hbm4b:s14+s2] =	stream.linear.scatter [tilespmem:s5], [sflag:$0x5], $0x4000, $0x38;
	[tilespmem:$0x10D00] =	vst v63  }
0x160: {  	_ =	swait.ge [sflag:s3], $0x4000  }
0x161: {  	[sflag:s3] =	ssyncset.done $0x0  }
0x162: {  	[sflag:s3] =	ssyncadd.s32 $0xFFFFC000  }
0x163: {  	[tilespmem:s5], [sflag:$0x1] =	stream.indirect.gather [hbm4b:s6+s10], $0x80, s30, s10, $0xb8;
	[tilespmem:$0x10D00] =	vst v63  }
0x164: {  	_ =	swait.ge [sflag:s7], $0x4000  }
0x165: {  	[sflag:s7] =	ssyncset.done $0x0  }
0x166: {  	s14 =	rddreg [dreg:$0xc];
	[sflag:s7] =	ssyncadd.s32 $0xFFFFC000  }
0x167: {  	[hbm4b:s14+s2] =	stream.linear.scatter [tilespmem:s4], [sflag:$0x5], $0x4000, $0x38;
	[tilespmem:$0x10D00] =	vst v63  }
0x168: {  	_ =	swait.ge [sflag:s3], $0x4000  }
0x169: {  	[sflag:s3] =	ssyncset.done $0x0  }
0x16a: {  	[sflag:s3] =	ssyncadd.s32 $0xFFFFC000  }
0x16b: {  	[tilespmem:s4], [sflag:$0x2] =	stream.indirect.gather [hbm4b:s6+s10], $0x80, s29, s10, $0xb8;
	[tilespmem:$0x10D00] =	vst v63  }
0x16c: {  	_ =	swait.ge [sflag:s13], $0x4000  }
0x16d: {  	[sflag:s13] =	ssyncset.done $0x0  }
0x16e: {  	s14 =	rddreg [dreg:$0xd];
	[sflag:s13] =	ssyncadd.s32 $0xFFFFC000  }
0x16f: {  	[hbm4b:s14+s2] =	stream.linear.scatter [tilespmem:s11], [sflag:$0x5], $0x4000, $0x38;
	[tilespmem:$0x10D00] =	vst v63  }
0x170: {  	_ =	swait.ge [sflag:s3], $0x4000  }
0x171: {  	[sflag:s3] =	ssyncset.done $0x0  }
0x172: {  	[sflag:s3] =	ssyncadd.s32 $0xFFFFC000  }
0x173: {  	[tilespmem:s11], [sflag:$0x3] =	stream.indirect.gather [hbm4b:s6+s10], $0x80, s26, s10, $0xb8;
	[tilespmem:$0x10D00] =	vst v63  }
0x174: {  	_ =	swait.ge [sflag:s12], $0x4000  }
0x175: {  	[sflag:s12] =	ssyncset.done $0x0  }
0x176: {  	s14 =	rddreg [dreg:$0xe];
	[sflag:s12] =	ssyncadd.s32 $0xFFFFC000  }
0x177: {  	[hbm4b:s14+s2] =	stream.linear.scatter [tilespmem:s9], [sflag:$0x5], $0x4000, $0x38;
	[tilespmem:$0x10D00] =	vst v63  }
0x178: {  	_ =	swait.ge [sflag:s3], $0x4000  }
0x179: {  	[sflag:s3] =	ssyncset.done $0x0  }
0x17a: {  	[sflag:s3] =	ssyncadd.s32 $0xFFFFC000  }
0x17b: {  	[tilespmem:s9], [sflag:$0x4] =	stream.indirect.gather [hbm4b:s6+s10], $0x80, s25, s10, $0xb8;
	[tilespmem:$0x10D00] =	vst v63  }
0x17c: {  	_ =	swait.ge [sflag:s8], $0x4000  }
0x17d: {  	[sflag:s8] =	ssyncset.done $0x0  }
0x17e: {  	s14 =	rddreg [dreg:$0xf];
	[sflag:s8] =	ssyncadd.s32 $0xFFFFC000  }
0x17f: {  	[hbm4b:s14+s2] =	stream.linear.scatter [tilespmem:s5], [sflag:$0x5], $0x4000, $0x38;
	[tilespmem:$0x10D00] =	vst v63  }
0x180: {  	_ =	swait.ge [sflag:s3], $0x4000  }
0x181: {  	[sflag:s3] =	ssyncset.done $0x0  }
0x182: {  	[sflag:s3] =	ssyncadd.s32 $0xFFFFC000  }
0x183: {  	[tilespmem:s5], [sflag:$0x1] =	stream.indirect.gather [hbm4b:s6+s10], $0x80, s24, s10, $0xb8;
	[tilespmem:$0x10D00] =	vst v63  }
0x184: {  	_ =	swait.ge [sflag:s7], $0x4000  }
0x185: {  	[sflag:s7] =	ssyncset.done $0x0  }
0x186: {  	s14 =	rddreg [dreg:$0x10];
	[sflag:s7] =	ssyncadd.s32 $0xFFFFC000  }
0x187: {  	[hbm4b:s14+s2] =	stream.linear.scatter [tilespmem:s4], [sflag:$0x5], $0x4000, $0x38;
	[tilespmem:$0x10D00] =	vst v63  }
0x188: {  	_ =	swait.ge [sflag:s3], $0x4000  }
0x189: {  	[sflag:s3] =	ssyncset.done $0x0  }
0x18a: {  	[sflag:s3] =	ssyncadd.s32 $0xFFFFC000  }
0x18b: {  	[tilespmem:s4], [sflag:$0x2] =	stream.indirect.gather [hbm4b:s6+s10], $0x80, s23, s10, $0xb8;
	[tilespmem:$0x10D00] =	vst v63  }
0x18c: {  	_ =	swait.ge [sflag:s13], $0x4000  }
0x18d: {  	[sflag:s13] =	ssyncset.done $0x0  }
0x18e: {  	s14 =	rddreg [dreg:$0x11];
	[sflag:s13] =	ssyncadd.s32 $0xFFFFC000  }
0x18f: {  	[hbm4b:s14+s2] =	stream.linear.scatter [tilespmem:s11], [sflag:$0x5], $0x4000, $0x38;
	[tilespmem:$0x10D00] =	vst v63  }
0x190: {  	_ =	swait.ge [sflag:s3], $0x4000  }
0x191: {  	[sflag:s3] =	ssyncset.done $0x0  }
0x192: {  	[sflag:s3] =	ssyncadd.s32 $0xFFFFC000  }
0x193: {  	[tilespmem:s11], [sflag:$0x3] =	stream.indirect.gather [hbm4b:s6+s10], $0x80, s22, s10, $0xb8;
	[tilespmem:$0x10D00] =	vst v63  }
0x194: {  	_ =	swait.ge [sflag:s12], $0x4000  }
0x195: {  	[sflag:s12] =	ssyncset.done $0x0  }
0x196: {  	s14 =	rddreg [dreg:$0x12];
	[sflag:s12] =	ssyncadd.s32 $0xFFFFC000  }
0x197: {  	[hbm4b:s14+s2] =	stream.linear.scatter [tilespmem:s9], [sflag:$0x5], $0x4000, $0x38;
	[tilespmem:$0x10D00] =	vst v63  }
0x198: {  	_ =	swait.ge [sflag:s3], $0x4000  }
0x199: {  	[sflag:s3] =	ssyncset.done $0x0  }
0x19a: {  	[sflag:s3] =	ssyncadd.s32 $0xFFFFC000  }
0x19b: {  	[tilespmem:s9], [sflag:$0x4] =	stream.indirect.gather [hbm4b:s6+s10], $0x80, s21, s10, $0xb8;
	[tilespmem:$0x10D00] =	vst v63  }
0x19c: {  	_ =	swait.ge [sflag:s8], $0x4000  }
0x19d: {  	[sflag:s8] =	ssyncset.done $0x0  }
0x19e: {  	s14 =	rddreg [dreg:$0x13];
	[sflag:s8] =	ssyncadd.s32 $0xFFFFC000  }
0x19f: {  	[hbm4b:s14+s2] =	stream.linear.scatter [tilespmem:s5], [sflag:$0x5], $0x4000, $0x38;
	[tilespmem:$0x10D00] =	vst v63  }
0x1a0: {  	_ =	swait.ge [sflag:s3], $0x4000  }
0x1a1: {  	[sflag:s3] =	ssyncset.done $0x0  }
0x1a2: {  	[sflag:s3] =	ssyncadd.s32 $0xFFFFC000  }
0x1a3: {  	[tilespmem:s5], [sflag:$0x1] =	stream.indirect.gather [hbm4b:s6+s10], $0x80, s20, s10, $0xb8;
	[tilespmem:$0x10D00] =	vst v63  }
0x1a4: {  	_ =	swait.ge [sflag:s7], $0x4000  }
0x1a5: {  	[sflag:s7] =	ssyncset.done $0x0  }
0x1a6: {  	s14 =	rddreg [dreg:$0x14];
	[sflag:s7] =	ssyncadd.s32 $0xFFFFC000  }
0x1a7: {  	[hbm4b:s14+s2] =	stream.linear.scatter [tilespmem:s4], [sflag:$0x5], $0x4000, $0x38;
	[tilespmem:$0x10D00] =	vst v63  }
0x1a8: {  	_ =	swait.ge [sflag:s3], $0x4000  }
0x1a9: {  	[sflag:s3] =	ssyncset.done $0x0  }
0x1aa: {  	[sflag:s3] =	ssyncadd.s32 $0xFFFFC000  }
0x1ab: {  	[tilespmem:s4], [sflag:$0x2] =	stream.indirect.gather [hbm4b:s6+s10], $0x80, s19, s10, $0xb8;
	[tilespmem:$0x10D00] =	vst v63  }
0x1ac: {  	_ =	swait.ge [sflag:s13], $0x4000  }
0x1ad: {  	[sflag:s13] =	ssyncset.done $0x0  }
0x1ae: {  	s14 =	rddreg [dreg:$0x15];
	[sflag:s13] =	ssyncadd.s32 $0xFFFFC000  }
0x1af: {  	[hbm4b:s14+s2] =	stream.linear.scatter [tilespmem:s11], [sflag:$0x5], $0x4000, $0x38;
	[tilespmem:$0x10D00] =	vst v63  }
0x1b0: {  	_ =	swait.ge [sflag:s3], $0x4000  }
0x1b1: {  	[sflag:s3] =	ssyncset.done $0x0  }
0x1b2: {  	[sflag:s3] =	ssyncadd.s32 $0xFFFFC000  }
0x1b3: {  	[tilespmem:s11], [sflag:$0x3] =	stream.indirect.gather [hbm4b:s6+s10], $0x80, s18, s10, $0xb8;
	[tilespmem:$0x10D00] =	vst v63  }
0x1b4: {  	_ =	swait.ge [sflag:s12], $0x4000  }
0x1b5: {  	[sflag:s12] =	ssyncset.done $0x0  }
0x1b6: {  	s14 =	rddreg [dreg:$0x16];
	[sflag:s12] =	ssyncadd.s32 $0xFFFFC000  }
0x1b7: {  	[hbm4b:s14+s2] =	stream.linear.scatter [tilespmem:s9], [sflag:$0x5], $0x4000, $0x38;
	[tilespmem:$0x10D00] =	vst v63  }
0x1b8: {  	_ =	swait.ge [sflag:s3], $0x4000  }
0x1b9: {  	[sflag:s3] =	ssyncset.done $0x0  }
0x1ba: {  	[sflag:s3] =	ssyncadd.s32 $0xFFFFC000  }
0x1bb: {  	[tilespmem:s9], [sflag:$0x4] =	stream.indirect.gather [hbm4b:s6+s10], $0x80, s17, s10, $0xb8;
	[tilespmem:$0x10D00] =	vst v63  }
0x1bc: {  	_ =	swait.ge [sflag:s8], $0x4000  }
0x1bd: {  	[sflag:s8] =	ssyncset.done $0x0  }
0x1be: {  	s14 =	rddreg [dreg:$0x17];
	[sflag:s8] =	ssyncadd.s32 $0xFFFFC000  }
0x1bf: {  	[hbm4b:s14+s2] =	stream.linear.scatter [tilespmem:s5], [sflag:$0x5], $0x4000, $0x38;
	[tilespmem:$0x10D00] =	vst v63  }
0x1c0: {  	_ =	swait.ge [sflag:s3], $0x4000  }
0x1c1: {  	[sflag:s3] =	ssyncset.done $0x0  }
0x1c2: {  	[sflag:s3] =	ssyncadd.s32 $0xFFFFC000  }
0x1c3: {  	[tilespmem:s5], [sflag:$0x1] =	stream.indirect.gather [hbm4b:s6+s10], $0x80, s16, s10, $0xb8;
	[tilespmem:$0x10D00] =	vst v63  }
0x1c4: {  	_ =	swait.ge [sflag:s7], $0x4000  }
0x1c5: {  	[sflag:s7] =	ssyncset.done $0x0  }
0x1c6: {  	s14 =	rddreg [dreg:$0x18];
	[sflag:s7] =	ssyncadd.s32 $0xFFFFC000  }
0x1c7: {  	[hbm4b:s14+s2] =	stream.linear.scatter [tilespmem:s4], [sflag:$0x5], $0x4000, $0x38;
	[tilespmem:$0x10D00] =	vst v63  }
0x1c8: {  	_ =	swait.ge [sflag:s3], $0x4000  }
0x1c9: {  	[sflag:s3] =	ssyncset.done $0x0  }
0x1ca: {  	[sflag:s3] =	ssyncadd.s32 $0xFFFFC000  }
0x1cb: {  	[tilespmem:s4], [sflag:$0x2] =	stream.indirect.gather [hbm4b:s6+s10], $0x80, s15, s10, $0xb8;
	[tilespmem:$0x10D00] =	vst v63  }
0x1cc: {  	_ =	swait.ge [sflag:s13], $0x4000  }
0x1cd: {  	[sflag:s13] =	ssyncset.done $0x0  }
0x1ce: {  	s14 =	rddreg [dreg:$0x19];
	[sflag:s13] =	ssyncadd.s32 $0xFFFFC000  }
0x1cf: {  	[hbm4b:s14+s2] =	stream.linear.scatter [tilespmem:s11], [sflag:$0x5], $0x4000, $0x38;
	[tilespmem:$0x10D00] =	vst v63  }
0x1d0: {  	_ =	swait.ge [sflag:s3], $0x4000  }
0x1d1: {  	[sflag:s3] =	ssyncset.done $0x0  }
0x1d2: {  	[sflag:s3] =	ssyncadd.s32 $0xFFFFC000  }
0x1d3: {  	_ =	swait.ge [sflag:s12], $0x4000  }
0x1d4: {  	[sflag:s12] =	ssyncset.done $0x0  }
0x1d5: {  	s14 =	rddreg [dreg:$0x1a];
	[sflag:s12] =	ssyncadd.s32 $0xFFFFC000  }
0x1d6: {  	[hbm4b:s14+s2] =	stream.linear.scatter [tilespmem:s9], [sflag:$0x5], $0x4000, $0x38;
	[tilespmem:$0x10D00] =	vst v63  }
0x1d7: {  	_ =	swait.ge [sflag:s3], $0x4000  }
0x1d8: {  	[sflag:s3] =	ssyncset.done $0x0  }
0x1d9: {  	[sflag:s3] =	ssyncadd.s32 $0xFFFFC000  }
0x1da: {  	_ =	swait.ge [sflag:s8], $0x4000  }
0x1db: {  	[sflag:s8] =	ssyncset.done $0x0  }
0x1dc: {  	s14 =	rddreg [dreg:$0x1b];
	[sflag:s8] =	ssyncadd.s32 $0xFFFFC000  }
0x1dd: {  	[hbm4b:s14+s2] =	stream.linear.scatter [tilespmem:s5], [sflag:$0x5], $0x4000, $0x38;
	[tilespmem:$0x10D00] =	vst v63  }
0x1de: {  	_ =	swait.ge [sflag:s3], $0x4000  }
0x1df: {  	[sflag:s3] =	ssyncset.done $0x0  }
0x1e0: {  	[sflag:s3] =	ssyncadd.s32 $0xFFFFC000  }
0x1e1: {  	p1 =	sne.s32 s1, $0x1;
	_ =	swait.ge [sflag:s7], $0x4000  }
.Ltmp2:
0x1e2: {  	[sflag:s7] =	ssyncset.done $0x0;
	(pc) =	sbr.rel @p1 .LBB2_4-.Ltmp2, $4  }
0x1e3: {  	s14 =	rddreg [dreg:$0x1c];
	[sflag:s7] =	ssyncadd.s32 $0xFFFFC000  }
0x1e4: {  	[hbm4b:s14+s2] =	stream.linear.scatter [tilespmem:s4], [sflag:$0x5], $0x4000, $0x38;
	[tilespmem:$0x10D00] =	vst v63  }
0x1e5: {  	_ =	swait.ge [sflag:s3], $0x4000  }
0x1e6: {  	s1 =	sadd.s32 $0xFFFFFFFF, s1;
	s0 =	rddreg [dreg:$0x3];
	[sflag:s3] =	ssyncset.done $0x0  }
0x1e7: {  	s15 =	simm.s32 $0x500  }
0x1e8: {  	s31 =	simm.s32 $0x580;
	s30 =	simm.s32 $0x600;
	s29 =	simm.s32 $0x680  }
0x1e9: {  	s26 =	simm.s32 $0x700;
	s25 =	simm.s32 $0x780;
	s24 =	simm.s32 $0x800  }
0x1ea: {  	s23 =	simm.s32 $0x880;
	s22 =	simm.s32 $0x900;
	s21 =	simm.s32 $0x980  }
0x1eb: {  	s20 =	simm.s32 $0xA00;
	s19 =	simm.s32 $0xA80;
	s18 =	simm.s32 $0xB00  }
0x1ec: {  	s17 =	simm.s32 $0xB80;
	s16 =	simm.s32 $0xC00;
	s14 =	stileid.u32  }
.LBB2_6:
0x1ed: {  	[sflag:s3] =	ssyncadd.s32 @p0 $0xFFFFC000  }
0x1ee: {  	[tilespmem:s2], [sflag:$0x5] =	stream.linear.gather [hbm4b:s0+s2], $0xD00, $0x38;
	[tilespmem:$0x10D00] =	vst v63  }
0x1ef: {  	_ =	swait.ge [sflag:s3], $0xD00  }
0x1f0: {  	[sflag:s3] =	ssyncset.done $0x0  }
0x1f1: {  	[sflag:s3] =	ssyncadd.s32 $0xFFFFF300  }
0x1f2: {  	[tilespmem:s5], [sflag:$0x1] =	stream.indirect.gather [hbm4b:s6+s10], $0x80, s2, s10, $0xb8;
	[tilespmem:$0x10D00] =	vst v63  }
0x1f3: {  	_ = 	snop  }
0x1f4: {  	[tilespmem:s4], [sflag:$0x2] =	stream.indirect.gather [hbm4b:s6+s10], $0x80, s10, s10, $0xb8;
	[tilespmem:$0x10D00] =	vst v63  }
0x1f5: {  	s0 =	rddreg [dreg:$0x1d]  }
0x1f6: {  	[tilespmem:s11], [sflag:$0x3] =	stream.indirect.gather [hbm4b:s6+s10], $0x80, s0, s10, $0xb8;
	[tilespmem:$0x10D00] =	vst v63  }
0x1f7: {  	s1 =	rddreg [dreg:$0x1e]  }
0x1f8: {  	[tilespmem:s9], [sflag:$0x4] =	stream.indirect.gather [hbm4b:s6+s10], $0x80, s1, s10, $0xb8;
	[tilespmem:$0x10D00] =	vst v63  }
0x1f9: {  	_ =	swait.ge [sflag:s8], $0x4000  }
0x1fa: {  	[sflag:s8] =	ssyncset.done $0x0  }
0x1fb: {  	[sflag:s8] =	ssyncadd.s32 $0xFFFFC000  }
0x1fc: {  	[hbm4b:s28+s2] =	stream.linear.scatter [tilespmem:s5], [sflag:$0x5], $0x4000, $0x38;
	[tilespmem:$0x10D00] =	vst v63  }
0x1fd: {  	_ =	swait.ge [sflag:s3], $0x4000  }
0x1fe: {  	[sflag:s3] =	ssyncset.done $0x0  }
0x1ff: {  	s28 =	rddreg [dreg:$0x1f];
	[sflag:s3] =	ssyncadd.s32 $0xFFFFC000  }
0x200: {  	[tilespmem:s5], [sflag:$0x1] =	stream.indirect.gather [hbm4b:s6+s10], $0x80, s28, s10, $0xb8;
	[tilespmem:$0x10D00] =	vst v63  }
0x201: {  	_ =	swait.ge [sflag:s7], $0x4000  }
0x202: {  	[sflag:s7] =	ssyncset.done $0x0  }
0x203: {  	s1 =	rddreg [dreg:$0x4];
	[sflag:s7] =	ssyncadd.s32 $0xFFFFC000  }
0x204: {  	[hbm4b:s1+s2] =	stream.linear.scatter [tilespmem:s4], [sflag:$0x5], $0x4000, $0x38;
	[tilespmem:$0x10D00] =	vst v63  }
0x205: {  	_ =	swait.ge [sflag:s3], $0x4000  }
0x206: {  	s28 =	sld [smem:$0x7F9]  }
0x207: {  	[sflag:s3] =	ssyncset.done $0x0  }
0x208: {  	[sflag:s3] =	ssyncadd.s32 $0xFFFFC000  }
0x209: {  	[tilespmem:s4], [sflag:$0x2] =	stream.indirect.gather [hbm4b:s6+s10], $0x80, s28, s10, $0xb8;
	[tilespmem:$0x10D00] =	vst v63  }
0x20a: {  	_ =	swait.ge [sflag:s13], $0x4000  }
0x20b: {  	[sflag:s13] =	ssyncset.done $0x0  }
0x20c: {  	s1 =	rddreg [dreg:$0x5];
	[sflag:s13] =	ssyncadd.s32 $0xFFFFC000  }
0x20d: {  	[hbm4b:s1+s2] =	stream.linear.scatter [tilespmem:s11], [sflag:$0x5], $0x4000, $0x38;
	[tilespmem:$0x10D00] =	vst v63  }
0x20e: {  	_ =	swait.ge [sflag:s3], $0x4000  }
0x20f: {  	s28 =	sld [smem:$0x7FA]  }
0x210: {  	[sflag:s3] =	ssyncset.done $0x0  }
0x211: {  	[sflag:s3] =	ssyncadd.s32 $0xFFFFC000  }
0x212: {  	[tilespmem:s11], [sflag:$0x3] =	stream.indirect.gather [hbm4b:s6+s10], $0x80, s28, s10, $0xb8;
	[tilespmem:$0x10D00] =	vst v63  }
0x213: {  	_ =	swait.ge [sflag:s12], $0x4000  }
0x214: {  	[sflag:s12] =	ssyncset.done $0x0  }
0x215: {  	s1 =	rddreg [dreg:$0x6];
	[sflag:s12] =	ssyncadd.s32 $0xFFFFC000  }
0x216: {  	[hbm4b:s1+s2] =	stream.linear.scatter [tilespmem:s9], [sflag:$0x5], $0x4000, $0x38;
	[tilespmem:$0x10D00] =	vst v63  }
0x217: {  	_ =	swait.ge [sflag:s3], $0x4000  }
0x218: {  	s28 =	sld [smem:$0x7FB]  }
0x219: {  	[sflag:s3] =	ssyncset.done $0x0  }
0x21a: {  	[sflag:s3] =	ssyncadd.s32 $0xFFFFC000  }
0x21b: {  	[tilespmem:s9], [sflag:$0x4] =	stream.indirect.gather [hbm4b:s6+s10], $0x80, s28, s10, $0xb8;
	[tilespmem:$0x10D00] =	vst v63  }
0x21c: {  	_ =	swait.ge [sflag:s8], $0x4000  }
0x21d: {  	[sflag:s8] =	ssyncset.done $0x0  }
0x21e: {  	s1 =	rddreg [dreg:$0x7];
	[sflag:s8] =	ssyncadd.s32 $0xFFFFC000  }
0x21f: {  	[hbm4b:s1+s2] =	stream.linear.scatter [tilespmem:s5], [sflag:$0x5], $0x4000, $0x38;
	[tilespmem:$0x10D00] =	vst v63  }
0x220: {  	_ =	swait.ge [sflag:s3], $0x4000  }
0x221: {  	s28 =	sld [smem:$0x7FC]  }
0x222: {  	[sflag:s3] =	ssyncset.done $0x0  }
0x223: {  	[sflag:s3] =	ssyncadd.s32 $0xFFFFC000  }
0x224: {  	[tilespmem:s5], [sflag:$0x1] =	stream.indirect.gather [hbm4b:s6+s10], $0x80, s28, s10, $0xb8;
	[tilespmem:$0x10D00] =	vst v63  }
0x225: {  	_ =	swait.ge [sflag:s7], $0x4000  }
0x226: {  	[sflag:s7] =	ssyncset.done $0x0  }
0x227: {  	s1 =	rddreg [dreg:$0x8];
	[sflag:s7] =	ssyncadd.s32 $0xFFFFC000  }
0x228: {  	[hbm4b:s1+s2] =	stream.linear.scatter [tilespmem:s4], [sflag:$0x5], $0x4000, $0x38;
	[tilespmem:$0x10D00] =	vst v63  }
0x229: {  	_ =	swait.ge [sflag:s3], $0x4000  }
0x22a: {  	s28 =	sld [smem:$0x7FD]  }
0x22b: {  	[sflag:s3] =	ssyncset.done $0x0  }
0x22c: {  	[sflag:s3] =	ssyncadd.s32 $0xFFFFC000  }
0x22d: {  	[tilespmem:s4], [sflag:$0x2] =	stream.indirect.gather [hbm4b:s6+s10], $0x80, s28, s10, $0xb8;
	[tilespmem:$0x10D00] =	vst v63  }
0x22e: {  	_ =	swait.ge [sflag:s13], $0x4000  }
0x22f: {  	[sflag:s13] =	ssyncset.done $0x0  }
0x230: {  	s1 =	rddreg [dreg:$0x9];
	[sflag:s13] =	ssyncadd.s32 $0xFFFFC000  }
0x231: {  	[hbm4b:s1+s2] =	stream.linear.scatter [tilespmem:s11], [sflag:$0x5], $0x4000, $0x38;
	[tilespmem:$0x10D00] =	vst v63  }
0x232: {  	_ =	swait.ge [sflag:s3], $0x4000  }
0x233: {  	[sflag:s3] =	ssyncset.done $0x0  }
0x234: {  	[sflag:s3] =	ssyncadd.s32 $0xFFFFC000  }
0x235: {  	[tilespmem:s11], [sflag:$0x3] =	stream.indirect.gather [hbm4b:s6+s10], $0x80, s15, s10, $0xb8;
	[tilespmem:$0x10D00] =	vst v63  }
0x236: {  	_ =	swait.ge [sflag:s12], $0x4000  }
0x237: {  	[sflag:s12] =	ssyncset.done $0x0  }
0x238: {  	s28 =	rddreg [dreg:$0xa];
	[sflag:s12] =	ssyncadd.s32 $0xFFFFC000  }
0x239: {  	[hbm4b:s28+s2] =	stream.linear.scatter [tilespmem:s9], [sflag:$0x5], $0x4000, $0x38;
	[tilespmem:$0x10D00] =	vst v63  }
0x23a: {  	_ =	swait.ge [sflag:s3], $0x4000  }
0x23b: {  	[sflag:s3] =	ssyncset.done $0x0  }
0x23c: {  	[sflag:s3] =	ssyncadd.s32 $0xFFFFC000  }
0x23d: {  	[tilespmem:s9], [sflag:$0x4] =	stream.indirect.gather [hbm4b:s6+s10], $0x80, s31, s10, $0xb8;
	[tilespmem:$0x10D00] =	vst v63  }
0x23e: {  	_ =	swait.ge [sflag:s8], $0x4000  }
0x23f: {  	[sflag:s8] =	ssyncset.done $0x0  }
0x240: {  	s31 =	rddreg [dreg:$0xb];
	[sflag:s8] =	ssyncadd.s32 $0xFFFFC000  }
0x241: {  	[hbm4b:s31+s2] =	stream.linear.scatter [tilespmem:s5], [sflag:$0x5], $0x4000, $0x38;
	[tilespmem:$0x10D00] =	vst v63  }
0x242: {  	_ =	swait.ge [sflag:s3], $0x4000  }
0x243: {  	[sflag:s3] =	ssyncset.done $0x0  }
0x244: {  	[sflag:s3] =	ssyncadd.s32 $0xFFFFC000  }
0x245: {  	[tilespmem:s5], [sflag:$0x1] =	stream.indirect.gather [hbm4b:s6+s10], $0x80, s30, s10, $0xb8;
	[tilespmem:$0x10D00] =	vst v63  }
0x246: {  	_ =	swait.ge [sflag:s7], $0x4000  }
0x247: {  	[sflag:s7] =	ssyncset.done $0x0  }
0x248: {  	s1 =	rddreg [dreg:$0xc];
	[sflag:s7] =	ssyncadd.s32 $0xFFFFC000  }
0x249: {  	[hbm4b:s1+s2] =	stream.linear.scatter [tilespmem:s4], [sflag:$0x5], $0x4000, $0x38;
	[tilespmem:$0x10D00] =	vst v63  }
0x24a: {  	_ =	swait.ge [sflag:s3], $0x4000  }
0x24b: {  	[sflag:s3] =	ssyncset.done $0x0  }
0x24c: {  	[sflag:s3] =	ssyncadd.s32 $0xFFFFC000  }
0x24d: {  	[tilespmem:s4], [sflag:$0x2] =	stream.indirect.gather [hbm4b:s6+s10], $0x80, s29, s10, $0xb8;
	[tilespmem:$0x10D00] =	vst v63  }
0x24e: {  	_ =	swait.ge [sflag:s13], $0x4000  }
0x24f: {  	[sflag:s13] =	ssyncset.done $0x0  }
0x250: {  	s15 =	rddreg [dreg:$0xd];
	[sflag:s13] =	ssyncadd.s32 $0xFFFFC000  }
0x251: {  	[hbm4b:s15+s2] =	stream.linear.scatter [tilespmem:s11], [sflag:$0x5], $0x4000, $0x38;
	[tilespmem:$0x10D00] =	vst v63  }
0x252: {  	_ =	swait.ge [sflag:s3], $0x4000  }
0x253: {  	[sflag:s3] =	ssyncset.done $0x0  }
0x254: {  	[sflag:s3] =	ssyncadd.s32 $0xFFFFC000  }
0x255: {  	[tilespmem:s11], [sflag:$0x3] =	stream.indirect.gather [hbm4b:s6+s10], $0x80, s26, s10, $0xb8;
	[tilespmem:$0x10D00] =	vst v63  }
0x256: {  	_ =	swait.ge [sflag:s12], $0x4000  }
0x257: {  	[sflag:s12] =	ssyncset.done $0x0  }
0x258: {  	s28 =	rddreg [dreg:$0xe];
	[sflag:s12] =	ssyncadd.s32 $0xFFFFC000  }
0x259: {  	[hbm4b:s28+s2] =	stream.linear.scatter [tilespmem:s9], [sflag:$0x5], $0x4000, $0x38;
	[tilespmem:$0x10D00] =	vst v63  }
0x25a: {  	_ =	swait.ge [sflag:s3], $0x4000  }
0x25b: {  	[sflag:s3] =	ssyncset.done $0x0  }
0x25c: {  	[sflag:s3] =	ssyncadd.s32 $0xFFFFC000  }
0x25d: {  	[tilespmem:s9], [sflag:$0x4] =	stream.indirect.gather [hbm4b:s6+s10], $0x80, s25, s10, $0xb8;
	[tilespmem:$0x10D00] =	vst v63  }
0x25e: {  	_ =	swait.ge [sflag:s8], $0x4000  }
0x25f: {  	[sflag:s8] =	ssyncset.done $0x0  }
0x260: {  	s29 =	rddreg [dreg:$0xf];
	[sflag:s8] =	ssyncadd.s32 $0xFFFFC000  }
0x261: {  	[hbm4b:s29+s2] =	stream.linear.scatter [tilespmem:s5], [sflag:$0x5], $0x4000, $0x38;
	[tilespmem:$0x10D00] =	vst v63  }
0x262: {  	_ =	swait.ge [sflag:s3], $0x4000  }
0x263: {  	[sflag:s3] =	ssyncset.done $0x0  }
0x264: {  	[sflag:s3] =	ssyncadd.s32 $0xFFFFC000  }
0x265: {  	[tilespmem:s5], [sflag:$0x1] =	stream.indirect.gather [hbm4b:s6+s10], $0x80, s24, s10, $0xb8;
	[tilespmem:$0x10D00] =	vst v63  }
0x266: {  	_ =	swait.ge [sflag:s7], $0x4000  }
0x267: {  	[sflag:s7] =	ssyncset.done $0x0  }
0x268: {  	s30 =	rddreg [dreg:$0x10];
	[sflag:s7] =	ssyncadd.s32 $0xFFFFC000  }
0x269: {  	[hbm4b:s30+s2] =	stream.linear.scatter [tilespmem:s4], [sflag:$0x5], $0x4000, $0x38;
	[tilespmem:$0x10D00] =	vst v63  }
0x26a: {  	_ =	swait.ge [sflag:s3], $0x4000  }
0x26b: {  	[sflag:s3] =	ssyncset.done $0x0  }
0x26c: {  	[sflag:s3] =	ssyncadd.s32 $0xFFFFC000  }
0x26d: {  	[tilespmem:s4], [sflag:$0x2] =	stream.indirect.gather [hbm4b:s6+s10], $0x80, s23, s10, $0xb8;
	[tilespmem:$0x10D00] =	vst v63  }
0x26e: {  	_ =	swait.ge [sflag:s13], $0x4000  }
0x26f: {  	[sflag:s13] =	ssyncset.done $0x0  }
0x270: {  	s31 =	rddreg [dreg:$0x11];
	[sflag:s13] =	ssyncadd.s32 $0xFFFFC000  }
0x271: {  	[hbm4b:s31+s2] =	stream.linear.scatter [tilespmem:s11], [sflag:$0x5], $0x4000, $0x38;
	[tilespmem:$0x10D00] =	vst v63  }
0x272: {  	_ =	swait.ge [sflag:s3], $0x4000  }
0x273: {  	[sflag:s3] =	ssyncset.done $0x0  }
0x274: {  	[sflag:s3] =	ssyncadd.s32 $0xFFFFC000  }
0x275: {  	[tilespmem:s11], [sflag:$0x3] =	stream.indirect.gather [hbm4b:s6+s10], $0x80, s22, s10, $0xb8;
	[tilespmem:$0x10D00] =	vst v63  }
0x276: {  	_ =	swait.ge [sflag:s12], $0x4000  }
0x277: {  	[sflag:s12] =	ssyncset.done $0x0  }
0x278: {  	s1 =	rddreg [dreg:$0x12];
	[sflag:s12] =	ssyncadd.s32 $0xFFFFC000  }
0x279: {  	[hbm4b:s1+s2] =	stream.linear.scatter [tilespmem:s9], [sflag:$0x5], $0x4000, $0x38;
	[tilespmem:$0x10D00] =	vst v63  }
0x27a: {  	_ =	swait.ge [sflag:s3], $0x4000  }
0x27b: {  	[sflag:s3] =	ssyncset.done $0x0  }
0x27c: {  	[sflag:s3] =	ssyncadd.s32 $0xFFFFC000  }
0x27d: {  	[tilespmem:s9], [sflag:$0x4] =	stream.indirect.gather [hbm4b:s6+s10], $0x80, s21, s10, $0xb8;
	[tilespmem:$0x10D00] =	vst v63  }
0x27e: {  	_ =	swait.ge [sflag:s8], $0x4000  }
0x27f: {  	[sflag:s8] =	ssyncset.done $0x0  }
0x280: {  	s15 =	rddreg [dreg:$0x13];
	[sflag:s8] =	ssyncadd.s32 $0xFFFFC000  }
0x281: {  	[hbm4b:s15+s2] =	stream.linear.scatter [tilespmem:s5], [sflag:$0x5], $0x4000, $0x38;
	[tilespmem:$0x10D00] =	vst v63  }
0x282: {  	_ =	swait.ge [sflag:s3], $0x4000  }
0x283: {  	[sflag:s3] =	ssyncset.done $0x0  }
0x284: {  	[sflag:s3] =	ssyncadd.s32 $0xFFFFC000  }
0x285: {  	[tilespmem:s5], [sflag:$0x1] =	stream.indirect.gather [hbm4b:s6+s10], $0x80, s20, s10, $0xb8;
	[tilespmem:$0x10D00] =	vst v63  }
0x286: {  	_ =	swait.ge [sflag:s7], $0x4000  }
0x287: {  	[sflag:s7] =	ssyncset.done $0x0  }
0x288: {  	s21 =	rddreg [dreg:$0x14];
	[sflag:s7] =	ssyncadd.s32 $0xFFFFC000  }
0x289: {  	[hbm4b:s21+s2] =	stream.linear.scatter [tilespmem:s4], [sflag:$0x5], $0x4000, $0x38;
	[tilespmem:$0x10D00] =	vst v63  }
0x28a: {  	_ =	swait.ge [sflag:s3], $0x4000  }
0x28b: {  	[sflag:s3] =	ssyncset.done $0x0  }
0x28c: {  	[sflag:s3] =	ssyncadd.s32 $0xFFFFC000  }
0x28d: {  	[tilespmem:s4], [sflag:$0x2] =	stream.indirect.gather [hbm4b:s6+s10], $0x80, s19, s10, $0xb8;
	[tilespmem:$0x10D00] =	vst v63  }
0x28e: {  	_ =	swait.ge [sflag:s13], $0x4000  }
0x28f: {  	[sflag:s13] =	ssyncset.done $0x0  }
0x290: {  	s22 =	rddreg [dreg:$0x15];
	[sflag:s13] =	ssyncadd.s32 $0xFFFFC000  }
0x291: {  	[hbm4b:s22+s2] =	stream.linear.scatter [tilespmem:s11], [sflag:$0x5], $0x4000, $0x38;
	[tilespmem:$0x10D00] =	vst v63  }
0x292: {  	_ =	swait.ge [sflag:s3], $0x4000  }
0x293: {  	[sflag:s3] =	ssyncset.done $0x0  }
0x294: {  	[sflag:s3] =	ssyncadd.s32 $0xFFFFC000  }
0x295: {  	[tilespmem:s11], [sflag:$0x3] =	stream.indirect.gather [hbm4b:s6+s10], $0x80, s18, s10, $0xb8;
	[tilespmem:$0x10D00] =	vst v63  }
0x296: {  	_ =	swait.ge [sflag:s12], $0x4000  }
0x297: {  	[sflag:s12] =	ssyncset.done $0x0  }
0x298: {  	s23 =	rddreg [dreg:$0x16];
	[sflag:s12] =	ssyncadd.s32 $0xFFFFC000  }
0x299: {  	[hbm4b:s23+s2] =	stream.linear.scatter [tilespmem:s9], [sflag:$0x5], $0x4000, $0x38;
	[tilespmem:$0x10D00] =	vst v63  }
0x29a: {  	_ =	swait.ge [sflag:s3], $0x4000  }
0x29b: {  	[sflag:s3] =	ssyncset.done $0x0  }
0x29c: {  	[sflag:s3] =	ssyncadd.s32 $0xFFFFC000  }
0x29d: {  	[tilespmem:s9], [sflag:$0x4] =	stream.indirect.gather [hbm4b:s6+s10], $0x80, s17, s10, $0xb8;
	[tilespmem:$0x10D00] =	vst v63  }
0x29e: {  	_ =	swait.ge [sflag:s8], $0x4000  }
0x29f: {  	[sflag:s8] =	ssyncset.done $0x0  }
0x2a0: {  	s24 =	rddreg [dreg:$0x17];
	[sflag:s8] =	ssyncadd.s32 $0xFFFFC000  }
0x2a1: {  	[hbm4b:s24+s2] =	stream.linear.scatter [tilespmem:s5], [sflag:$0x5], $0x4000, $0x38;
	[tilespmem:$0x10D00] =	vst v63  }
0x2a2: {  	_ =	swait.ge [sflag:s3], $0x4000  }
0x2a3: {  	[sflag:s3] =	ssyncset.done $0x0  }
0x2a4: {  	[sflag:s3] =	ssyncadd.s32 $0xFFFFC000  }
0x2a5: {  	[tilespmem:s5], [sflag:$0x1] =	stream.indirect.gather [hbm4b:s6+s10], $0x80, s16, s10, $0xb8;
	[tilespmem:$0x10D00] =	vst v63  }
0x2a6: {  	_ =	swait.ge [sflag:s7], $0x4000  }
0x2a7: {  	[sflag:s7] =	ssyncset.done $0x0  }
0x2a8: {  	s25 =	rddreg [dreg:$0x18];
	[sflag:s7] =	ssyncadd.s32 $0xFFFFC000  }
0x2a9: {  	[hbm4b:s25+s2] =	stream.linear.scatter [tilespmem:s4], [sflag:$0x5], $0x4000, $0x38;
	[tilespmem:$0x10D00] =	vst v63  }
0x2aa: {  	_ =	swait.ge [sflag:s3], $0x4000  }
0x2ab: {  	[sflag:s3] =	ssyncset.done $0x0  }
0x2ac: {  	s26 =	simm.s32 $0xC80;
	[sflag:s3] =	ssyncadd.s32 $0xFFFFC000  }
0x2ad: {  	[tilespmem:s4], [sflag:$0x2] =	stream.indirect.gather [hbm4b:s6+s10], $0x80, s26, s10, $0xb8;
	[tilespmem:$0x10D00] =	vst v63  }
0x2ae: {  	_ =	swait.ge [sflag:s13], $0x4000  }
0x2af: {  	[sflag:s13] =	ssyncset.done $0x0  }
0x2b0: {  	s28 =	rddreg [dreg:$0x19];
	[sflag:s13] =	ssyncadd.s32 $0xFFFFC000  }
0x2b1: {  	[hbm4b:s28+s2] =	stream.linear.scatter [tilespmem:s11], [sflag:$0x5], $0x4000, $0x38;
	[tilespmem:$0x10D00] =	vst v63  }
0x2b2: {  	_ =	swait.ge [sflag:s3], $0x4000  }
0x2b3: {  	[sflag:s3] =	ssyncset.done $0x0  }
0x2b4: {  	[sflag:s3] =	ssyncadd.s32 $0xFFFFC000  }
0x2b5: {  	_ =	swait.ge [sflag:s12], $0x4000  }
0x2b6: {  	[sflag:s12] =	ssyncset.done $0x0  }
0x2b7: {  	s29 =	rddreg [dreg:$0x1a];
	[sflag:s12] =	ssyncadd.s32 $0xFFFFC000  }
0x2b8: {  	[hbm4b:s29+s2] =	stream.linear.scatter [tilespmem:s9], [sflag:$0x5], $0x4000, $0x38;
	[tilespmem:$0x10D00] =	vst v63  }
0x2b9: {  	_ =	swait.ge [sflag:s3], $0x4000  }
0x2ba: {  	[sflag:s3] =	ssyncset.done $0x0  }
0x2bb: {  	[sflag:s3] =	ssyncadd.s32 $0xFFFFC000  }
0x2bc: {  	_ =	swait.ge [sflag:s8], $0x4000  }
0x2bd: {  	[sflag:s8] =	ssyncset.done $0x0  }
0x2be: {  	s30 =	rddreg [dreg:$0x1b];
	[sflag:s8] =	ssyncadd.s32 $0xFFFFC000  }
0x2bf: {  	[hbm4b:s30+s2] =	stream.linear.scatter [tilespmem:s5], [sflag:$0x5], $0x4000, $0x38;
	[tilespmem:$0x10D00] =	vst v63  }
0x2c0: {  	_ =	swait.ge [sflag:s3], $0x4000  }
0x2c1: {  	[sflag:s3] =	ssyncset.done $0x0  }
0x2c2: {  	[sflag:s3] =	ssyncadd.s32 $0xFFFFC000  }
0x2c3: {  	_ =	swait.ge [sflag:s7], $0x4000  }
0x2c4: {  	[sflag:s7] =	ssyncset.done $0x0  }
0x2c5: {  	s31 =	rddreg [dreg:$0x1c];
	[sflag:s7] =	ssyncadd.s32 $0xFFFFC000  }
0x2c6: {  	[hbm4b:s31+s2] =	stream.linear.scatter [tilespmem:s4], [sflag:$0x5], $0x4000, $0x38;
	[tilespmem:$0x10D00] =	vst v63  }
0x2c7: {  	_ =	swait.ge [sflag:s3], $0x4000  }
0x2c8: {  	[sflag:s3] =	ssyncset.done $0x0  }
0x2c9: {  	[sflag:s3] =	ssyncadd.s32 $0xFFFFC000  }
0x2ca: {  	_ =	sfence.sel $0x180000  }
0x2cb: {  	[bflag:$0x0] =	sbarrier.arrive $0xFFFF  }
0x2cc: {  	_ =	strace $0x90000047  }
0x2cd: {  	[bflag:$0x2] =	sbarrier.arrive $0xFFFF  }
0x2ce: {  	p0 =	sne.s32 s14, $0x0;
	s0 =	rddreg [dreg:$0x2]  }
0x2cf: {  	s0 =	sadd.s32 @!p0 $0x100000, s0  }
0x2d0: {  	[sflag:s0] =	ssyncadd.tile.s32 @!p0 $0x1;
	_ =	shalt  }
.LBB2_1:
0x2d1: {  	s15 =	simm.s32 $0x500  }
.Ltmp3:
0x2d2: {  	s31 =	simm.s32 $0x580;
	s30 =	simm.s32 $0x600;
	(pc) =	sbr.rel .LBB2_6-.Ltmp3, $4  }
0x2d3: {  	s29 =	simm.s32 $0x680;
	s26 =	simm.s32 $0x700;
	s25 =	simm.s32 $0x780  }
0x2d4: {  	s24 =	simm.s32 $0x800;
	s23 =	simm.s32 $0x880;
	s22 =	simm.s32 $0x900  }
0x2d5: {  	s21 =	simm.s32 $0x980;
	s20 =	simm.s32 $0xA00;
	s19 =	simm.s32 $0xA80  }
0x2d6: {  	s18 =	simm.s32 $0xB00;
	s17 =	simm.s32 $0xB80;
	s16 =	simm.s32 $0xC00  }
.LBB2_3:
0x2d7: {  	s15 =	simm.s32 $0x500;
	s31 =	simm.s32 $0x580  }
.Ltmp4:
0x2d8: {  	s30 =	simm.s32 $0x600;
	s29 =	simm.s32 $0x680;
	(pc) =	sbr.rel .LBB2_6-.Ltmp4, $4  }
0x2d9: {  	s26 =	simm.s32 $0x700;
	s25 =	simm.s32 $0x780;
	s24 =	simm.s32 $0x800  }
0x2da: {  	s23 =	simm.s32 $0x880;
	s22 =	simm.s32 $0x900;
	s21 =	simm.s32 $0x980  }
0x2db: {  	s20 =	simm.s32 $0xA00;
	s19 =	simm.s32 $0xA80;
	s18 =	simm.s32 $0xB00  }
0x2dc: {  	s17 =	simm.s32 $0xB80;
	s16 =	simm.s32 $0xC00;
	s14 =	stileid.u32  }
.Lfunc_end2:
_tile_overlayer_lowered:
.L_overlay_start_2:
0x2dd: {  	(tag) =	ssettag $0x2  }
0x2de: {  	s0 =	rddreg [dreg:$0x0];
	s2 =	stileid.u32  }
0x2df: {  	s1 =	rddreg [dreg:$0x1];
	p0 =	sne.s32 s2, $0x0  }
0x2e0: {  	s3 =	rddreg [dreg:$0x2];
	[bflag:$0x3] =	sbarrier.arrive $0xFFFF;
	s2 =	simm.s32 @!p0 $0x1C05  }
0x2e1: {  	[timem:s3], [sflag:s2] =	dma.local @!p0 [hbm:s0], s1  }
0x2e2: {  	s0 =	simm.s32 @!p0 $0x5  }
0x2e3: {  	_ =	swait.ge @!p0 [sflag:s0], s1  }
0x2e4: {  	s1 =	ssub.s32 @!p0 $0x0, s1;
	[sflag:s0] =	ssyncset.done @!p0 $0x0  }
0x2e5: {  	[sflag:s0] =	ssyncadd.s32 @!p0 s1  }
0x2e6: {  	[bflag:$0x3] =	sbarrier.arrive $0xFFFF  }
0x2e7: {  	_ =	shalt  }

</sc_bundles>
